<compile_context>
chip_gen: v7x
topology: tpu7x:2x2x1
jax: 0.10.2.dev20260603
libtpu: 0.0.44.dev20260713+nightly
codegen_flags: <defaults>
</compile_context>

<pallas_src>
import functools

import jax
import jax.numpy as jnp
from jax import lax
from jax.experimental import pallas as pl
from jax.experimental.pallas import tpu as pltpu
from jax.experimental.pallas import tpu_sc as plsc

N, K, D, P, H, C = 8192, 32, 256, 128, 8, 32
HC = H * C
KV = 2 * HC
NEG = -1e9


_PRE_B = 256


def _pre_body(local_ref, pair_ref, nbr_ref, mask_ref, wq_ref, wk_ref, wv_ref,
              wb_ref, wg_ref, q_ref, kv_ref, gate_ref, bias_ref, validf_ref,
              nbr_out_ref):
    x = local_ref[...]
    scale = jnp.float32(1.0) / jnp.sqrt(jnp.float32(C))
    q_ref[...] = jnp.dot(x, wq_ref[...], preferred_element_type=jnp.float32) * scale
    kv_ref[:, :HC] = jnp.dot(x, wk_ref[...], preferred_element_type=jnp.float32)
    kv_ref[:, HC:] = jnp.dot(x, wv_ref[...], preferred_element_type=jnp.float32)
    gate_ref[...] = jax.nn.sigmoid(
        jnp.dot(x, wg_ref[...], preferred_element_type=jnp.float32))

    p2 = pair_ref[...].reshape(_PRE_B * K, P)
    bias = jnp.dot(p2, wb_ref[...], preferred_element_type=jnp.float32)
    bias = bias.reshape(_PRE_B, K, H)
    nbr = nbr_ref[...]
    valid = jnp.logical_and(mask_ref[...] != 0, nbr >= 0)
    bias_ref[...] = bias
    validf_ref[...] = valid.astype(jnp.float32)
    nbr_out_ref[...] = jnp.clip(nbr, 0, N - 1)


def _pre(local, pair, neighbours, mask_i, Wq, Wk, Wv, Wb, Wg):
    grid = (N // _PRE_B,)
    return pl.pallas_call(
        _pre_body,
        grid=grid,
        in_specs=[
            pl.BlockSpec((_PRE_B, D), lambda i: (i, 0)),
            pl.BlockSpec((_PRE_B, K, P), lambda i: (i, 0, 0)),
            pl.BlockSpec((_PRE_B, K), lambda i: (i, 0)),
            pl.BlockSpec((_PRE_B, K), lambda i: (i, 0)),
            pl.BlockSpec((D, HC), lambda i: (0, 0)),
            pl.BlockSpec((D, HC), lambda i: (0, 0)),
            pl.BlockSpec((D, HC), lambda i: (0, 0)),
            pl.BlockSpec((P, H), lambda i: (0, 0)),
            pl.BlockSpec((D, HC), lambda i: (0, 0)),
        ],
        out_specs=[
            pl.BlockSpec((_PRE_B, HC), lambda i: (i, 0)),
            pl.BlockSpec((_PRE_B, KV), lambda i: (i, 0)),
            pl.BlockSpec((_PRE_B, HC), lambda i: (i, 0)),
            pl.BlockSpec((_PRE_B, K, H), lambda i: (i, 0, 0)),
            pl.BlockSpec((_PRE_B, K), lambda i: (i, 0)),
            pl.BlockSpec((_PRE_B, K), lambda i: (i, 0)),
        ],
        out_shape=[
            jax.ShapeDtypeStruct((N, HC), jnp.float32),
            jax.ShapeDtypeStruct((N, KV), jnp.float32),
            jax.ShapeDtypeStruct((N, HC), jnp.float32),
            jax.ShapeDtypeStruct((N, K, H), jnp.float32),
            jax.ShapeDtypeStruct((N, K), jnp.float32),
            jax.ShapeDtypeStruct((N, K), jnp.int32),
        ],
    )(local, pair, neighbours, mask_i, Wq, Wk, Wv, Wb, Wg)



NW = 32
TPW = N // NW
G = 16
CH = 2
NCHG = G // CH
NCH = TPW // CH
NG = TPW // G

_SC_MESH = plsc.VectorSubcoreMesh(core_axis_name="c", subcore_axis_name="s")


@functools.partial(
    pl.kernel,
    out_type=jax.ShapeDtypeStruct((N, HC), jnp.float32),
    mesh=_SC_MESH,
    scratch_types=[
        pltpu.VMEM((2, G, HC), jnp.float32),
        pltpu.VMEM((2, G, K, H), jnp.float32),
        pltpu.VMEM((TPW, K), jnp.float32),
        pltpu.VMEM((TPW * K,), jnp.int32),
        pltpu.VMEM((2, CH * K, KV), jnp.float32),
        pltpu.VMEM((2, G, HC), jnp.float32),
        pltpu.SemaphoreType.DMA,
        pltpu.SemaphoreType.DMA,
        pltpu.SemaphoreType.DMA,
    ],
    compiler_params=pltpu.CompilerParams(use_tc_tiling_on_sc=False,
                                         needs_layout_passes=False),
)
def _sc_attn(q_hbm, kv_hbm, bias_hbm, validf_hbm, nbr_hbm, o_hbm,
             q_v, bias_v, valid_v, nbr_v, kv_v, out_v,
             sem_kv, sem_in, sem_out):
    wid = lax.axis_index("s") * 2 + lax.axis_index("c")
    tok0 = wid * TPW

    pltpu.sync_copy(nbr_hbm.at[pl.ds(tok0 * K, TPW * K)], nbr_v)
    pltpu.sync_copy(validf_hbm.at[pl.ds(tok0, TPW)], valid_v)

    def start_group_inputs(g):
        p = lax.rem(g, 2)
        t0 = tok0 + g * G
        pltpu.async_copy(q_hbm.at[pl.ds(t0, G)], q_v.at[p], sem_in)
        pltpu.async_copy(bias_hbm.at[pl.ds(t0, G)], bias_v.at[p], sem_in)

    def wait_group_inputs():
        pltpu.make_async_copy(q_hbm.at[pl.ds(0, G)], q_v.at[0], sem_in).wait()
        pltpu.make_async_copy(bias_hbm.at[pl.ds(0, G)], bias_v.at[0],
                              sem_in).wait()

    def start_gather(c):
        p = lax.rem(c, 2)
        idx = nbr_v.at[pl.ds(c * CH * K, CH * K)]
        pltpu.async_copy(kv_hbm.at[idx], kv_v.at[p], sem_kv)

    def wait_gather(c):
        p = lax.rem(c, 2)
        pltpu.make_async_copy(kv_hbm.at[pl.ds(0, CH * K)], kv_v.at[p],
                              sem_kv).wait()

    def start_out_write(g):
        p = lax.rem(g, 2)
        t0 = tok0 + g * G
        pltpu.async_copy(out_v.at[p], o_hbm.at[pl.ds(t0, G)], sem_out)

    def wait_out_write():
        pltpu.make_async_copy(out_v.at[0], o_hbm.at[pl.ds(0, G)],
                              sem_out).wait()

    start_group_inputs(0)
    start_gather(0)

    i16 = lax.broadcasted_iota(jnp.int32, (16,), 0)

    def token_compute(p_in, p_kv, tg, tt, rb):
        pin_s = jnp.full((16,), p_in, jnp.int32)
        pkv_s = jnp.full((16,), p_kv, jnp.int32)
        tg_s = jnp.full((16,), tg, jnp.int32)
        row0 = jnp.full((16,), rb, jnp.int32) + i16
        row1 = row0 + 16
        valid0 = valid_v[tt, pl.ds(0, 16)]
        valid1 = valid_v[tt, pl.ds(16, 16)]
        neg0 = (valid0 - 1.0) * jnp.float32(1e9)
        neg1 = (valid1 - 1.0) * jnp.float32(1e9)
        z = jnp.zeros((16,), jnp.float32)

        def h_body(h, _):
            col0 = h * C
            qv0 = q_v[p_in, tg, pl.ds(col0, 16)]
            qv1 = q_v[p_in, tg, pl.ds(col0 + 16, 16)]
            col_base = jnp.full((16,), col0, jnp.int32)

            a0 = z
            a1 = z
            for cc in range(C):
                qs = qv0[cc] if cc < 16 else qv1[cc - 16]
                col_s = col_base + cc
                g0 = plsc.load_gather(kv_v, [pkv_s, row0, col_s])
                g1 = plsc.load_gather(kv_v, [pkv_s, row1, col_s])
                a0 = a0 + qs * g0
                a1 = a1 + qs * g1

            h_s = jnp.full((16,), h, jnp.int32)
            b0 = plsc.load_gather(bias_v, [pin_s, tg_s, i16, h_s])
            b1 = plsc.load_gather(bias_v, [pin_s, tg_s, i16 + 16, h_s])
            l0 = (b0 + a0) * valid0 + neg0
            l1 = (b1 + a1) * valid1 + neg1
            m = jnp.maximum(jnp.max(l0), jnp.max(l1))
            e0 = jnp.exp(l0 - m)
            e1 = jnp.exp(l1 - m)
            s_v = jnp.full((16,), jnp.sum(e0) + jnp.sum(e1), jnp.float32)
            inv = jnp.ones((16,), jnp.float32) / s_v
            w0 = e0 * inv
            w1 = e1 * inv

            o0 = z
            o1 = z
            for kk in range(K):
                w = w0[kk] if kk < 16 else w1[kk - 16]
                vr0 = kv_v[p_kv, rb + kk, pl.ds(HC + col0, 16)]
                vr1 = kv_v[p_kv, rb + kk, pl.ds(HC + col0 + 16, 16)]
                o0 = o0 + w * vr0
                o1 = o1 + w * vr1
            out_v[p_in, tg, pl.ds(col0, 16)] = o0
            out_v[p_in, tg, pl.ds(col0 + 16, 16)] = o1
            return 0

        lax.fori_loop(0, H, h_body, 0)

    def chunk_body(c, _):
        g = lax.div(c, NCHG)
        cg = lax.rem(c, NCHG)
        p_in = lax.rem(g, 2)
        p_kv = lax.rem(c, 2)

        @pl.when(cg == 0)
        def _group_start():
            wait_group_inputs()

            @pl.when(g + 1 < NG)
            def _():
                start_group_inputs(g + 1)

            @pl.when(g >= 2)
            def _():
                wait_out_write()

        @pl.when(c + 1 < NCH)
        def _():
            start_gather(c + 1)

        wait_gather(c)

        def tok_body(j, _):
            tg = cg * CH + j
            tt = c * CH + j
            token_compute(p_in, p_kv, tg, tt, j * K)
            return 0

        lax.fori_loop(0, CH, tok_body, 0)

        @pl.when(cg == NCHG - 1)
        def _group_end():
            start_out_write(g)

        return 0

    lax.fori_loop(0, NCH, chunk_body, 0)
    wait_out_write()
    wait_out_write()



_POST_B = 512


def _post_body(o_ref, gate_ref, wo_ref, out_ref):
    out_ref[...] = jnp.dot(gate_ref[...] * o_ref[...], wo_ref[...],
                           preferred_element_type=jnp.float32)


def _post(o, gate, Wo):
    return pl.pallas_call(
        _post_body,
        grid=(N // _POST_B,),
        in_specs=[
            pl.BlockSpec((_POST_B, HC), lambda i: (i, 0)),
            pl.BlockSpec((_POST_B, HC), lambda i: (i, 0)),
            pl.BlockSpec((HC, D), lambda i: (0, 0)),
        ],
        out_specs=pl.BlockSpec((_POST_B, D), lambda i: (i, 0)),
        out_shape=jax.ShapeDtypeStruct((N, D), jnp.float32),
    )(o, gate, Wo)



@jax.jit
def kernel(local, pair, neighbours, pair_mask, Wq, Wk, Wv, Wb, Wg, Wo):
    mask_i = pair_mask.astype(jnp.int32)
    q, kv, gate, bias, validf, nbrc = _pre(local, pair, neighbours, mask_i,
                                           Wq, Wk, Wv, Wb, Wg)
    o = _sc_attn(q, kv, bias, validf, nbrc.reshape(-1))
    return _post(o, gate, Wo)

# --- scband reference (transcript-rebuilt; emitter-appended) ---
"""Pipeline reference for scband-c2-s-73538430042906 (READ-ONLY COPY).

The authoritative reference and input builder live on the scoring server;
editing this copy changes nothing except your own understanding.
"""

import jax, jax.numpy as jnp
import numpy as np

N, K, D, P, H, C = 8192, 32, 256, 128, 8, 32


def setup_inputs(seed: int = 0) -> dict:
    key = jax.random.key(seed)
    ks = jax.random.split(key, 10)
    local = jax.random.normal(ks[0], (N, D), dtype=jnp.float32)
    pair = jax.random.normal(ks[1], (N, K, P), dtype=jnp.float32)
    neighbours = jax.random.randint(ks[2], (N, K), 0, N).astype(jnp.int32)
    pair_mask = jax.random.randint(ks[3], (N, K), 0, 2).astype(bool)
    Wq = jax.random.normal(ks[4], (D, H * C), dtype=jnp.float32) / np.sqrt(D)
    Wk = jax.random.normal(ks[5], (D, H * C), dtype=jnp.float32) / np.sqrt(D)
    Wv = jax.random.normal(ks[6], (D, H * C), dtype=jnp.float32) / np.sqrt(D)
    Wb = jax.random.normal(ks[7], (P, H), dtype=jnp.float32) / np.sqrt(P)
    Wg = jax.random.normal(ks[8], (D, H * C), dtype=jnp.float32) / np.sqrt(D)
    Wo = jnp.zeros((H * C, D), dtype=jnp.float32)  # 'zeros' final init as in module
    # use small random Wo instead so output/grads are informative
    Wo = jax.random.normal(ks[9], (H * C, D), dtype=jnp.float32) / np.sqrt(H * C)
    return dict(local=local, pair=pair, neighbours=neighbours, pair_mask=pair_mask,
                Wq=Wq, Wk=Wk, Wv=Wv, Wb=Wb, Wg=Wg, Wo=Wo)


def reference(local, pair, neighbours, pair_mask, Wq, Wk, Wv, Wb, Wg, Wo):
    # Neighbour-sparse multi-head attention with pair bias and output gating,
    # matching SparseAttention(key_size, heads)(local, pair, neighbours, pair_mask).
    n, d = local.shape
    k_nb = neighbours.shape[1]
    q = (local @ Wq).reshape(n, H, C)
    k = (local @ Wk).reshape(n, H, C)
    v = (local @ Wv).reshape(n, H, C)
    idx = jnp.where(neighbours < 0, 0, neighbours)
    kn = jnp.take(k, idx, axis=0)  # [N, K, H, C] gather
    vn = jnp.take(v, idx, axis=0)  # [N, K, H, C] gather
    logits = jnp.einsum('nhc,nkhc->nhk', q, kn) / jnp.sqrt(jnp.float32(C))
    bias = jnp.einsum('nkp,ph->nhk', pair, Wb)
    logits = logits + bias
    valid = jnp.logical_and(pair_mask, neighbours >= 0)  # [N, K]
    logits = jnp.where(valid[:, None, :], logits, jnp.float32(-1e9))
    attn = jax.nn.softmax(logits, axis=-1)
    out = jnp.einsum('nhk,nkhc->nhc', attn, vn)
    gate = jax.nn.sigmoid(local @ Wg).reshape(n, H, C)
    out = (gate * out).reshape(n, H * C)
    return out @ Wo


if False:  # reference __main__ guard neutralized (emitter)
    inp = setup_inputs()
    y = reference(**inp)
    print(y.shape, y.dtype)

if __name__ == "__main__":
    import jax
    _d = setup_inputs()
    print(jax.jit(kernel)(*tuple(_d.values())))

</pallas_src>

<mosaic_0001>
#map = affine_map<(d0, d1) -> (0, 0)>
#map1 = affine_map<(d0, d1) -> (0, 0, 0)>
#map2 = affine_map<(d0, d1) -> (0)>
module attributes {stable_mosaic.version = 14 : i64} {
  func.func @_sc_attn(%arg0: i32, %arg1: i32, %arg2: memref<8192x256xf32, #tpu.memory_space<hbm>>, %arg3: memref<8192x512xf32, #tpu.memory_space<hbm>>, %arg4: memref<8192x32x8xf32, #tpu.memory_space<hbm>>, %arg5: memref<8192x32xf32, #tpu.memory_space<hbm>>, %arg6: memref<262144xi32, #tpu.memory_space<hbm>>, %arg7: memref<8192x256xf32, #tpu.memory_space<hbm>>, %arg8: memref<2x16x256xf32, #tpu.memory_space<vmem>>, %arg9: memref<2x16x32x8xf32, #tpu.memory_space<vmem>>, %arg10: memref<256x32xf32, #tpu.memory_space<vmem>>, %arg11: memref<8192xi32, #tpu.memory_space<vmem>>, %arg12: memref<2x64x512xf32, #tpu.memory_space<vmem>>, %arg13: memref<2x16x256xf32, #tpu.memory_space<vmem>>, %arg14: memref<!tpu.dma_semaphore, #tpu.memory_space<semaphore_mem>>, %arg15: memref<!tpu.dma_semaphore, #tpu.memory_space<semaphore_mem>>, %arg16: memref<!tpu.dma_semaphore, #tpu.memory_space<semaphore_mem>>) attributes {dimension_semantics = [#tpu.dimension_semantics<core_parallel>, #tpu.dimension_semantics<subcore_parallel>], iteration_bounds = array<i64: 2, 16>, scalar_prefetch = 0 : i64, scratch_operands = 9 : i64, tpu.core_type = #tpu.core_type<sc_vector_subcore>, window_params = [{transform_indices = #map}, {transform_indices = #map}, {transform_indices = #map1}, {transform_indices = #map}, {transform_indices = #map2}, {transform_indices = #map}]} {
    %mul3A = arith.constant 2 : i32
    %mul3A_0 = arith.muli %arg1, %mul3A : i32
    %add3A = arith.addi %mul3A_0, %arg0 : i32
    %mul3A_1 = arith.constant 256 : i32
    %mul3A_2 = arith.muli %add3A, %mul3A_1 : i32
    %mul3A_3 = arith.constant 32 : i32
    %mul3A_4 = arith.muli %mul3A_2, %mul3A_3 : i32
    "tpu.region"() ({
      %run_scoped3A = tpu.sem_alloc : memref<!tpu.dma_semaphore, #tpu.memory_space<semaphore_mem>>
      %dma_start3A_83 = tpu.memref_slice %arg6[%mul3A_4] : memref<262144xi32, #tpu.memory_space<hbm>> -> memref<8192xi32, #tpu.memory_space<hbm>>
      %dma_start3A_84 = tpu.memref_slice %arg6[%mul3A_4] : memref<262144xi32, #tpu.memory_space<hbm>> -> memref<8192xi32, #tpu.memory_space<hbm>>
      tpu.enqueue_dma source(%dma_start3A_84 : memref<8192xi32, #tpu.memory_space<hbm>>) target(%arg11 : memref<8192xi32, #tpu.memory_space<vmem>>) target_semaphore(%run_scoped3A : memref<!tpu.dma_semaphore, #tpu.memory_space<semaphore_mem>>)
      %dma_wait3A_85 = tpu.memref_slice %arg6[%mul3A_4] : memref<262144xi32, #tpu.memory_space<hbm>> -> memref<8192xi32, #tpu.memory_space<hbm>>
      %dma_wait3A_86 = tpu.memref_slice %arg6[%mul3A_4] : memref<262144xi32, #tpu.memory_space<hbm>> -> memref<8192xi32, #tpu.memory_space<hbm>>
      tpu.wait_dma2 semaphore(%run_scoped3A : memref<!tpu.dma_semaphore, #tpu.memory_space<semaphore_mem>>) src(%dma_wait3A_86 : memref<8192xi32, #tpu.memory_space<hbm>>) dst(%arg11 : memref<8192xi32, #tpu.memory_space<vmem>>)
      tpu.yield
    }) : () -> ()
    "tpu.region"() ({
      %run_scoped3A = tpu.sem_alloc : memref<!tpu.dma_semaphore, #tpu.memory_space<semaphore_mem>>
      %dma_start3A_83 = arith.constant 0 : i32
      %dma_start3A_84 = tpu.memref_slice %arg5[%mul3A_2, %dma_start3A_83] : memref<8192x32xf32, #tpu.memory_space<hbm>> -> memref<256x32xf32, #tpu.memory_space<hbm>>
      %dma_start3A_85 = arith.constant 0 : i32
      %dma_start3A_86 = tpu.memref_slice %arg5[%mul3A_2, %dma_start3A_85] : memref<8192x32xf32, #tpu.memory_space<hbm>> -> memref<256x32xf32, #tpu.memory_space<hbm>>
      tpu.enqueue_dma source(%dma_start3A_86 : memref<256x32xf32, #tpu.memory_space<hbm>>) target(%arg10 : memref<256x32xf32, #tpu.memory_space<vmem>>) target_semaphore(%run_scoped3A : memref<!tpu.dma_semaphore, #tpu.memory_space<semaphore_mem>>)
      %dma_wait3A_87 = arith.constant 0 : i32
      %dma_wait3A_88 = tpu.memref_slice %arg5[%mul3A_2, %dma_wait3A_87] : memref<8192x32xf32, #tpu.memory_space<hbm>> -> memref<256x32xf32, #tpu.memory_space<hbm>>
      %dma_wait3A_89 = arith.constant 0 : i32
      %dma_wait3A_90 = tpu.memref_slice %arg5[%mul3A_2, %dma_wait3A_89] : memref<8192x32xf32, #tpu.memory_space<hbm>> -> memref<256x32xf32, #tpu.memory_space<hbm>>
      tpu.wait_dma2 semaphore(%run_scoped3A : memref<!tpu.dma_semaphore, #tpu.memory_space<semaphore_mem>>) src(%dma_wait3A_90 : memref<256x32xf32, #tpu.memory_space<hbm>>) dst(%arg10 : memref<256x32xf32, #tpu.memory_space<vmem>>)
      tpu.yield
    }) : () -> ()
    %rem3A = arith.constant 0 : i32
    %rem3A_5 = arith.constant 2 : i32
    %rem3A_6 = arith.remsi %rem3A, %rem3A_5 : i32
    %add3A_7 = arith.constant 0 : i32
    %add3A_8 = arith.addi %mul3A_2, %add3A_7 : i32
    %dma_start3A = arith.constant 0 : i32
    %dma_start3A_9 = arith.constant 0 : i32
    %dma_start3A_10 = tpu.memref_slice %arg8[%rem3A_6, %dma_start3A, %dma_start3A_9] : memref<2x16x256xf32, #tpu.memory_space<vmem>> -> memref<1x16x256xf32, #tpu.memory_space<vmem>>
    %dma_start3A_11 = tpu.memref_squeeze %dma_start3A_10 : memref<1x16x256xf32, #tpu.memory_space<vmem>> -> memref<16x256xf32, #tpu.memory_space<vmem>>
    %dma_start3A_12 = arith.constant 0 : i32
    %dma_start3A_13 = tpu.memref_slice %arg2[%add3A_8, %dma_start3A_12] : memref<8192x256xf32, #tpu.memory_space<hbm>> -> memref<16x256xf32, #tpu.memory_space<hbm>>
    %dma_start3A_14 = arith.constant 0 : i32
    %dma_start3A_15 = arith.constant 0 : i32
    %dma_start3A_16 = tpu.memref_slice %arg8[%rem3A_6, %dma_start3A_14, %dma_start3A_15] : memref<2x16x256xf32, #tpu.memory_space<vmem>> -> memref<1x16x256xf32, #tpu.memory_space<vmem>>
    %dma_start3A_17 = tpu.memref_squeeze %dma_start3A_16 : memref<1x16x256xf32, #tpu.memory_space<vmem>> -> memref<16x256xf32, #tpu.memory_space<vmem>>
    %dma_start3A_18 = arith.constant 0 : i32
    %dma_start3A_19 = tpu.memref_slice %arg2[%add3A_8, %dma_start3A_18] : memref<8192x256xf32, #tpu.memory_space<hbm>> -> memref<16x256xf32, #tpu.memory_space<hbm>>
    tpu.enqueue_dma source(%dma_start3A_19 : memref<16x256xf32, #tpu.memory_space<hbm>>) target(%dma_start3A_17 : memref<16x256xf32, #tpu.memory_space<vmem>>) target_semaphore(%arg15 : memref<!tpu.dma_semaphore, #tpu.memory_space<semaphore_mem>>)
    %dma_start3A_20 = arith.constant 0 : i32
    %dma_start3A_21 = arith.constant 0 : i32
    %dma_start3A_22 = arith.constant 0 : i32
    %dma_start3A_23 = tpu.memref_slice %arg9[%rem3A_6, %dma_start3A_20, %dma_start3A_21, %dma_start3A_22] : memref<2x16x32x8xf32, #tpu.memory_space<vmem>> -> memref<1x16x32x8xf32, #tpu.memory_space<vmem>>
    %dma_start3A_24 = tpu.memref_squeeze %dma_start3A_23 : memref<1x16x32x8xf32, #tpu.memory_space<vmem>> -> memref<16x32x8xf32, #tpu.memory_space<vmem>>
    %dma_start3A_25 = arith.constant 0 : i32
    %dma_start3A_26 = arith.constant 0 : i32
    %dma_start3A_27 = tpu.memref_slice %arg4[%add3A_8, %dma_start3A_25, %dma_start3A_26] : memref<8192x32x8xf32, #tpu.memory_space<hbm>> -> memref<16x32x8xf32, #tpu.memory_space<hbm>>
    %dma_start3A_28 = arith.constant 0 : i32
    %dma_start3A_29 = arith.constant 0 : i32
    %dma_start3A_30 = arith.constant 0 : i32
    %dma_start3A_31 = tpu.memref_slice %arg9[%rem3A_6, %dma_start3A_28, %dma_start3A_29, %dma_start3A_30] : memref<2x16x32x8xf32, #tpu.memory_space<vmem>> -> memref<1x16x32x8xf32, #tpu.memory_space<vmem>>
    %dma_start3A_32 = tpu.memref_squeeze %dma_start3A_31 : memref<1x16x32x8xf32, #tpu.memory_space<vmem>> -> memref<16x32x8xf32, #tpu.memory_space<vmem>>
    %dma_start3A_33 = arith.constant 0 : i32
    %dma_start3A_34 = arith.constant 0 : i32
    %dma_start3A_35 = tpu.memref_slice %arg4[%add3A_8, %dma_start3A_33, %dma_start3A_34] : memref<8192x32x8xf32, #tpu.memory_space<hbm>> -> memref<16x32x8xf32, #tpu.memory_space<hbm>>
    tpu.enqueue_dma source(%dma_start3A_35 : memref<16x32x8xf32, #tpu.memory_space<hbm>>) target(%dma_start3A_32 : memref<16x32x8xf32, #tpu.memory_space<vmem>>) target_semaphore(%arg15 : memref<!tpu.dma_semaphore, #tpu.memory_space<semaphore_mem>>)
    %rem3A_36 = arith.constant 0 : i32
    %rem3A_37 = arith.constant 2 : i32
    %rem3A_38 = arith.remsi %rem3A_36, %rem3A_37 : i32
    %dma_start3A_39 = arith.constant 0 : i32
    %dma_start3A_40 = arith.constant 0 : i32
    %dma_start3A_41 = tpu.memref_slice %arg12[%rem3A_38, %dma_start3A_39, %dma_start3A_40] : memref<2x64x512xf32, #tpu.memory_space<vmem>> -> memref<1x64x512xf32, #tpu.memory_space<vmem>>
    %dma_start3A_42 = tpu.memref_squeeze %dma_start3A_41 : memref<1x64x512xf32, #tpu.memory_space<vmem>> -> memref<64x512xf32, #tpu.memory_space<vmem>>
    %dma_start3A_43 = arith.constant 0 : i32
    %dma_start3A_44 = tpu.memref_slice %arg11[%dma_start3A_43] : memref<8192xi32, #tpu.memory_space<vmem>> -> memref<64xi32, #tpu.memory_space<vmem>>
    %dma_start3A_45 = arith.constant 0 : i32
    %dma_start3A_46 = arith.constant 0 : i32
    %dma_start3A_47 = tpu.memref_slice %arg3[%dma_start3A_45, %dma_start3A_46] : memref<8192x512xf32, #tpu.memory_space<hbm>> -> memref<8192x512xf32, #tpu.memory_space<hbm>>
    tpu.enqueue_indirect_dma source(%dma_start3A_47 : memref<8192x512xf32, #tpu.memory_space<hbm>>) target(%dma_start3A_42 : memref<64x512xf32, #tpu.memory_space<vmem>>) offsets(%dma_start3A_44 : memref<64xi32, #tpu.memory_space<vmem>>) semaphore(%arg14 : memref<!tpu.dma_semaphore, #tpu.memory_space<semaphore_mem>>)
    %iota3A = tpu.iota {dimensions = array<i32: 0>} : vector<16xi32>
    %scan3A = arith.constant 0 : i32
    %scan3A_48 = arith.constant 0 : i32
    %scan3A_49 = arith.constant 128 : i32
    %scan3A_50 = arith.addi %scan3A_48, %scan3A_49 : i32
    %scan3A_51 = arith.constant 1 : i32
    %scan3A_52 = scf.for %scan3A_83 = %scan3A_48 to %scan3A_50 step %scan3A_51 iter_args(%scan3A_84 = %scan3A) -> (i32)  : i32 {
      %div3A = arith.constant 8 : i32
      %div3A_85 = arith.divsi %scan3A_83, %div3A : i32
      %rem3A_86 = arith.constant 8 : i32
      %rem3A_87 = arith.remsi %scan3A_83, %rem3A_86 : i32
      %rem3A_88 = arith.constant 2 : i32
      %rem3A_89 = arith.remsi %div3A_85, %rem3A_88 : i32
      %rem3A_90 = arith.constant 2 : i32
      %rem3A_91 = arith.remsi %scan3A_83, %rem3A_90 : i32
      %eq3A = arith.constant 0 : i32
      %eq3A_92 = arith.cmpi eq, %rem3A_87, %eq3A : i32
      %convert_element_type3A = arith.extui %eq3A_92 : i1 to i32
      %cond3A = arith.constant 0 : i32
      %cond3A_93 = arith.cmpi ne, %convert_element_type3A, %cond3A : i32
      scf.if %cond3A_93 {
        %dma_wait3A_129 = arith.constant 0 : i32
        %dma_wait3A_130 = arith.constant 0 : i32
        %dma_wait3A_131 = arith.constant 0 : i32
        %dma_wait3A_132 = tpu.memref_slice %arg8[%dma_wait3A_129, %dma_wait3A_130, %dma_wait3A_131] : memref<2x16x256xf32, #tpu.memory_space<vmem>> -> memref<1x16x256xf32, #tpu.memory_space<vmem>>
        %dma_wait3A_133 = tpu.memref_squeeze %dma_wait3A_132 : memref<1x16x256xf32, #tpu.memory_space<vmem>> -> memref<16x256xf32, #tpu.memory_space<vmem>>
        %dma_wait3A_134 = arith.constant 0 : i32
        %dma_wait3A_135 = arith.constant 0 : i32
        %dma_wait3A_136 = tpu.memref_slice %arg2[%dma_wait3A_134, %dma_wait3A_135] : memref<8192x256xf32, #tpu.memory_space<hbm>> -> memref<16x256xf32, #tpu.memory_space<hbm>>
        %dma_wait3A_137 = arith.constant 0 : i32
        %dma_wait3A_138 = arith.constant 0 : i32
        %dma_wait3A_139 = tpu.memref_slice %arg8[%dma_wait3A_129, %dma_wait3A_137, %dma_wait3A_138] : memref<2x16x256xf32, #tpu.memory_space<vmem>> -> memref<1x16x256xf32, #tpu.memory_space<vmem>>
        %dma_wait3A_140 = tpu.memref_squeeze %dma_wait3A_139 : memref<1x16x256xf32, #tpu.memory_space<vmem>> -> memref<16x256xf32, #tpu.memory_space<vmem>>
        %dma_wait3A_141 = arith.constant 0 : i32
        %dma_wait3A_142 = arith.constant 0 : i32
        %dma_wait3A_143 = tpu.memref_slice %arg2[%dma_wait3A_141, %dma_wait3A_142] : memref<8192x256xf32, #tpu.memory_space<hbm>> -> memref<16x256xf32, #tpu.memory_space<hbm>>
        tpu.wait_dma2 semaphore(%arg15 : memref<!tpu.dma_semaphore, #tpu.memory_space<semaphore_mem>>) src(%dma_wait3A_143 : memref<16x256xf32, #tpu.memory_space<hbm>>) dst(%dma_wait3A_140 : memref<16x256xf32, #tpu.memory_space<vmem>>)
        %dma_wait3A_144 = arith.constant 0 : i32
        %dma_wait3A_145 = arith.constant 0 : i32
        %dma_wait3A_146 = arith.constant 0 : i32
        %dma_wait3A_147 = arith.constant 0 : i32
        %dma_wait3A_148 = tpu.memref_slice %arg9[%dma_wait3A_144, %dma_wait3A_145, %dma_wait3A_146, %dma_wait3A_147] : memref<2x16x32x8xf32, #tpu.memory_space<vmem>> -> memref<1x16x32x8xf32, #tpu.memory_space<vmem>>
        %dma_wait3A_149 = tpu.memref_squeeze %dma_wait3A_148 : memref<1x16x32x8xf32, #tpu.memory_space<vmem>> -> memref<16x32x8xf32, #tpu.memory_space<vmem>>
        %dma_wait3A_150 = arith.constant 0 : i32
        %dma_wait3A_151 = arith.constant 0 : i32
        %dma_wait3A_152 = arith.constant 0 : i32
        %dma_wait3A_153 = tpu.memref_slice %arg4[%dma_wait3A_150, %dma_wait3A_151, %dma_wait3A_152] : memref<8192x32x8xf32, #tpu.memory_space<hbm>> -> memref<16x32x8xf32, #tpu.memory_space<hbm>>
        %dma_wait3A_154 = arith.constant 0 : i32
        %dma_wait3A_155 = arith.constant 0 : i32
        %dma_wait3A_156 = arith.constant 0 : i32
        %dma_wait3A_157 = tpu.memref_slice %arg9[%dma_wait3A_144, %dma_wait3A_154, %dma_wait3A_155, %dma_wait3A_156] : memref<2x16x32x8xf32, #tpu.memory_space<vmem>> -> memref<1x16x32x8xf32, #tpu.memory_space<vmem>>
        %dma_wait3A_158 = tpu.memref_squeeze %dma_wait3A_157 : memref<1x16x32x8xf32, #tpu.memory_space<vmem>> -> memref<16x32x8xf32, #tpu.memory_space<vmem>>
        %dma_wait3A_159 = arith.constant 0 : i32
        %dma_wait3A_160 = arith.constant 0 : i32
        %dma_wait3A_161 = arith.constant 0 : i32
        %dma_wait3A_162 = tpu.memref_slice %arg4[%dma_wait3A_159, %dma_wait3A_160, %dma_wait3A_161] : memref<8192x32x8xf32, #tpu.memory_space<hbm>> -> memref<16x32x8xf32, #tpu.memory_space<hbm>>
        tpu.wait_dma2 semaphore(%arg15 : memref<!tpu.dma_semaphore, #tpu.memory_space<semaphore_mem>>) src(%dma_wait3A_162 : memref<16x32x8xf32, #tpu.memory_space<hbm>>) dst(%dma_wait3A_158 : memref<16x32x8xf32, #tpu.memory_space<vmem>>)
        %add3A_163 = arith.constant 1 : i32
        %add3A_164 = arith.addi %div3A_85, %add3A_163 : i32
        %lt3A_165 = arith.constant 16 : i32
        %lt3A_166 = arith.cmpi slt, %add3A_164, %lt3A_165 : i32
        %convert_element_type3A_167 = arith.extui %lt3A_166 : i1 to i32
        %cond3A_168 = arith.constant 0 : i32
        %cond3A_169 = arith.cmpi ne, %convert_element_type3A_167, %cond3A_168 : i32
        scf.if %cond3A_169 {
          %add3A_174 = arith.constant 1 : i32
          %add3A_175 = arith.addi %div3A_85, %add3A_174 : i32
          %rem3A_176 = arith.constant 2 : i32
          %rem3A_177 = arith.remsi %add3A_175, %rem3A_176 : i32
          %mul3A_178 = arith.constant 16 : i32
          %mul3A_179 = arith.muli %add3A_175, %mul3A_178 : i32
          %add3A_180 = arith.addi %mul3A_2, %mul3A_179 : i32
          %dma_start3A_181 = arith.constant 0 : i32
          %dma_start3A_182 = arith.constant 0 : i32
          %dma_start3A_183 = tpu.memref_slice %arg8[%rem3A_177, %dma_start3A_181, %dma_start3A_182] : memref<2x16x256xf32, #tpu.memory_space<vmem>> -> memref<1x16x256xf32, #tpu.memory_space<vmem>>
          %dma_start3A_184 = tpu.memref_squeeze %dma_start3A_183 : memref<1x16x256xf32, #tpu.memory_space<vmem>> -> memref<16x256xf32, #tpu.memory_space<vmem>>
          %dma_start3A_185 = arith.constant 0 : i32
          %dma_start3A_186 = tpu.memref_slice %arg2[%add3A_180, %dma_start3A_185] : memref<8192x256xf32, #tpu.memory_space<hbm>> -> memref<16x256xf32, #tpu.memory_space<hbm>>
          %dma_start3A_187 = arith.constant 0 : i32
          %dma_start3A_188 = arith.constant 0 : i32
          %dma_start3A_189 = tpu.memref_slice %arg8[%rem3A_177, %dma_start3A_187, %dma_start3A_188] : memref<2x16x256xf32, #tpu.memory_space<vmem>> -> memref<1x16x256xf32, #tpu.memory_space<vmem>>
          %dma_start3A_190 = tpu.memref_squeeze %dma_start3A_189 : memref<1x16x256xf32, #tpu.memory_space<vmem>> -> memref<16x256xf32, #tpu.memory_space<vmem>>
          %dma_start3A_191 = arith.constant 0 : i32
          %dma_start3A_192 = tpu.memref_slice %arg2[%add3A_180, %dma_start3A_191] : memref<8192x256xf32, #tpu.memory_space<hbm>> -> memref<16x256xf32, #tpu.memory_space<hbm>>
          tpu.enqueue_dma source(%dma_start3A_192 : memref<16x256xf32, #tpu.memory_space<hbm>>) target(%dma_start3A_190 : memref<16x256xf32, #tpu.memory_space<vmem>>) target_semaphore(%arg15 : memref<!tpu.dma_semaphore, #tpu.memory_space<semaphore_mem>>)
          %dma_start3A_193 = arith.constant 0 : i32
          %dma_start3A_194 = arith.constant 0 : i32
          %dma_start3A_195 = arith.constant 0 : i32
          %dma_start3A_196 = tpu.memref_slice %arg9[%rem3A_177, %dma_start3A_193, %dma_start3A_194, %dma_start3A_195] : memref<2x16x32x8xf32, #tpu.memory_space<vmem>> -> memref<1x16x32x8xf32, #tpu.memory_space<vmem>>
          %dma_start3A_197 = tpu.memref_squeeze %dma_start3A_196 : memref<1x16x32x8xf32, #tpu.memory_space<vmem>> -> memref<16x32x8xf32, #tpu.memory_space<vmem>>
          %dma_start3A_198 = arith.constant 0 : i32
          %dma_start3A_199 = arith.constant 0 : i32
          %dma_start3A_200 = tpu.memref_slice %arg4[%add3A_180, %dma_start3A_198, %dma_start3A_199] : memref<8192x32x8xf32, #tpu.memory_space<hbm>> -> memref<16x32x8xf32, #tpu.memory_space<hbm>>
          %dma_start3A_201 = arith.constant 0 : i32
          %dma_start3A_202 = arith.constant 0 : i32
          %dma_start3A_203 = arith.constant 0 : i32
          %dma_start3A_204 = tpu.memref_slice %arg9[%rem3A_177, %dma_start3A_201, %dma_start3A_202, %dma_start3A_203] : memref<2x16x32x8xf32, #tpu.memory_space<vmem>> -> memref<1x16x32x8xf32, #tpu.memory_space<vmem>>
          %dma_start3A_205 = tpu.memref_squeeze %dma_start3A_204 : memref<1x16x32x8xf32, #tpu.memory_space<vmem>> -> memref<16x32x8xf32, #tpu.memory_space<vmem>>
          %dma_start3A_206 = arith.constant 0 : i32
          %dma_start3A_207 = arith.constant 0 : i32
          %dma_start3A_208 = tpu.memref_slice %arg4[%add3A_180, %dma_start3A_206, %dma_start3A_207] : memref<8192x32x8xf32, #tpu.memory_space<hbm>> -> memref<16x32x8xf32, #tpu.memory_space<hbm>>
          tpu.enqueue_dma source(%dma_start3A_208 : memref<16x32x8xf32, #tpu.memory_space<hbm>>) target(%dma_start3A_205 : memref<16x32x8xf32, #tpu.memory_space<vmem>>) target_semaphore(%arg15 : memref<!tpu.dma_semaphore, #tpu.memory_space<semaphore_mem>>)
        } else {
        }
        %ge3A = arith.constant 2 : i32
        %ge3A_170 = arith.cmpi sge, %div3A_85, %ge3A : i32
        %convert_element_type3A_171 = arith.extui %ge3A_170 : i1 to i32
        %cond3A_172 = arith.constant 0 : i32
        %cond3A_173 = arith.cmpi ne, %convert_element_type3A_171, %cond3A_172 : i32
        scf.if %cond3A_173 {
          %dma_wait3A_174 = arith.constant 0 : i32
          %dma_wait3A_175 = arith.constant 0 : i32
          %dma_wait3A_176 = arith.constant 0 : i32
          %dma_wait3A_177 = tpu.memref_slice %arg13[%dma_wait3A_174, %dma_wait3A_175, %dma_wait3A_176] : memref<2x16x256xf32, #tpu.memory_space<vmem>> -> memref<1x16x256xf32, #tpu.memory_space<vmem>>
          %dma_wait3A_178 = tpu.memref_squeeze %dma_wait3A_177 : memref<1x16x256xf32, #tpu.memory_space<vmem>> -> memref<16x256xf32, #tpu.memory_space<vmem>>
          %dma_wait3A_179 = arith.constant 0 : i32
          %dma_wait3A_180 = arith.constant 0 : i32
          %dma_wait3A_181 = tpu.memref_slice %arg7[%dma_wait3A_179, %dma_wait3A_180] : memref<8192x256xf32, #tpu.memory_space<hbm>> -> memref<16x256xf32, #tpu.memory_space<hbm>>
          %dma_wait3A_182 = arith.constant 0 : i32
          %dma_wait3A_183 = arith.constant 0 : i32
          %dma_wait3A_184 = tpu.memref_slice %arg7[%dma_wait3A_182, %dma_wait3A_183] : memref<8192x256xf32, #tpu.memory_space<hbm>> -> memref<16x256xf32, #tpu.memory_space<hbm>>
          %dma_wait3A_185 = arith.constant 0 : i32
          %dma_wait3A_186 = arith.constant 0 : i32
          %dma_wait3A_187 = tpu.memref_slice %arg13[%dma_wait3A_174, %dma_wait3A_185, %dma_wait3A_186] : memref<2x16x256xf32, #tpu.memory_space<vmem>> -> memref<1x16x256xf32, #tpu.memory_space<vmem>>
          %dma_wait3A_188 = tpu.memref_squeeze %dma_wait3A_187 : memref<1x16x256xf32, #tpu.memory_space<vmem>> -> memref<16x256xf32, #tpu.memory_space<vmem>>
          tpu.wait_dma2 semaphore(%arg16 : memref<!tpu.dma_semaphore, #tpu.memory_space<semaphore_mem>>) src(%dma_wait3A_188 : memref<16x256xf32, #tpu.memory_space<vmem>>) dst(%dma_wait3A_184 : memref<16x256xf32, #tpu.memory_space<hbm>>)
        } else {
        }
      } else {
      }
      %add3A_94 = arith.constant 1 : i32
      %add3A_95 = arith.addi %scan3A_83, %add3A_94 : i32
      %lt3A = arith.constant 128 : i32
      %lt3A_96 = arith.cmpi slt, %add3A_95, %lt3A : i32
      %convert_element_type3A_97 = arith.extui %lt3A_96 : i1 to i32
      %cond3A_98 = arith.constant 0 : i32
      %cond3A_99 = arith.cmpi ne, %convert_element_type3A_97, %cond3A_98 : i32
      scf.if %cond3A_99 {
        %add3A_129 = arith.constant 1 : i32
        %add3A_130 = arith.addi %scan3A_83, %add3A_129 : i32
        %rem3A_131 = arith.constant 2 : i32
        %rem3A_132 = arith.remsi %add3A_130, %rem3A_131 : i32
        %mul3A_133 = arith.constant 2 : i32
        %mul3A_134 = arith.muli %add3A_130, %mul3A_133 : i32
        %mul3A_135 = arith.constant 32 : i32
        %mul3A_136 = arith.muli %mul3A_134, %mul3A_135 : i32
        %dma_start3A_137 = arith.constant 0 : i32
        %dma_start3A_138 = arith.constant 0 : i32
        %dma_start3A_139 = tpu.memref_slice %arg12[%rem3A_132, %dma_start3A_137, %dma_start3A_138] : memref<2x64x512xf32, #tpu.memory_space<vmem>> -> memref<1x64x512xf32, #tpu.memory_space<vmem>>
        %dma_start3A_140 = tpu.memref_squeeze %dma_start3A_139 : memref<1x64x512xf32, #tpu.memory_space<vmem>> -> memref<64x512xf32, #tpu.memory_space<vmem>>
        %dma_start3A_141 = tpu.memref_slice %arg11[%mul3A_136] : memref<8192xi32, #tpu.memory_space<vmem>> -> memref<64xi32, #tpu.memory_space<vmem>>
        %dma_start3A_142 = arith.constant 0 : i32
        %dma_start3A_143 = arith.constant 0 : i32
        %dma_start3A_144 = tpu.memref_slice %arg3[%dma_start3A_142, %dma_start3A_143] : memref<8192x512xf32, #tpu.memory_space<hbm>> -> memref<8192x512xf32, #tpu.memory_space<hbm>>
        tpu.enqueue_indirect_dma source(%dma_start3A_144 : memref<8192x512xf32, #tpu.memory_space<hbm>>) target(%dma_start3A_140 : memref<64x512xf32, #tpu.memory_space<vmem>>) offsets(%dma_start3A_141 : memref<64xi32, #tpu.memory_space<vmem>>) semaphore(%arg14 : memref<!tpu.dma_semaphore, #tpu.memory_space<semaphore_mem>>)
      } else {
      }
      %rem3A_100 = arith.constant 2 : i32
      %rem3A_101 = arith.remsi %scan3A_83, %rem3A_100 : i32
      %dma_wait3A_102 = arith.constant 0 : i32
      %dma_wait3A_103 = arith.constant 0 : i32
      %dma_wait3A_104 = tpu.memref_slice %arg12[%rem3A_101, %dma_wait3A_102, %dma_wait3A_103] : memref<2x64x512xf32, #tpu.memory_space<vmem>> -> memref<1x64x512xf32, #tpu.memory_space<vmem>>
      %dma_wait3A_105 = tpu.memref_squeeze %dma_wait3A_104 : memref<1x64x512xf32, #tpu.memory_space<vmem>> -> memref<64x512xf32, #tpu.memory_space<vmem>>
      %dma_wait3A_106 = arith.constant 0 : i32
      %dma_wait3A_107 = arith.constant 0 : i32
      %dma_wait3A_108 = tpu.memref_slice %arg3[%dma_wait3A_106, %dma_wait3A_107] : memref<8192x512xf32, #tpu.memory_space<hbm>> -> memref<64x512xf32, #tpu.memory_space<hbm>>
      %dma_wait3A_109 = arith.constant 0 : i32
      %dma_wait3A_110 = arith.constant 0 : i32
      %dma_wait3A_111 = tpu.memref_slice %arg12[%rem3A_101, %dma_wait3A_109, %dma_wait3A_110] : memref<2x64x512xf32, #tpu.memory_space<vmem>> -> memref<1x64x512xf32, #tpu.memory_space<vmem>>
      %dma_wait3A_112 = tpu.memref_squeeze %dma_wait3A_111 : memref<1x64x512xf32, #tpu.memory_space<vmem>> -> memref<64x512xf32, #tpu.memory_space<vmem>>
      %dma_wait3A_113 = arith.constant 0 : i32
      %dma_wait3A_114 = arith.constant 0 : i32
      %dma_wait3A_115 = tpu.memref_slice %arg3[%dma_wait3A_113, %dma_wait3A_114] : memref<8192x512xf32, #tpu.memory_space<hbm>> -> memref<64x512xf32, #tpu.memory_space<hbm>>
      tpu.wait_dma2 semaphore(%arg14 : memref<!tpu.dma_semaphore, #tpu.memory_space<semaphore_mem>>) src(%dma_wait3A_115 : memref<64x512xf32, #tpu.memory_space<hbm>>) dst(%dma_wait3A_112 : memref<64x512xf32, #tpu.memory_space<vmem>>)
      %scan3A_116 = arith.constant 0 : i32
      %scan3A_117 = arith.constant 0 : i32
      %scan3A_118 = arith.constant 2 : i32
      %scan3A_119 = arith.addi %scan3A_117, %scan3A_118 : i32
      %scan3A_120 = arith.constant 1 : i32
      %scan3A_121 = scf.for %scan3A_129 = %scan3A_117 to %scan3A_119 step %scan3A_120 iter_args(%scan3A_130 = %scan3A_116) -> (i32)  : i32 {
        %mul3A_131 = arith.constant 2 : i32
        %mul3A_132 = arith.muli %rem3A_87, %mul3A_131 : i32
        %add3A_133 = arith.addi %mul3A_132, %scan3A_129 : i32
        %mul3A_134 = arith.constant 2 : i32
        %mul3A_135 = arith.muli %scan3A_83, %mul3A_134 : i32
        %add3A_136 = arith.addi %mul3A_135, %scan3A_129 : i32
        %mul3A_137 = arith.constant 32 : i32
        %mul3A_138 = arith.muli %scan3A_129, %mul3A_137 : i32
        %broadcast_in_dim3A = vector.broadcast %rem3A_89 : i32 to vector<16xi32>
        %broadcast_in_dim3A_139 = vector.broadcast %rem3A_91 : i32 to vector<16xi32>
        %broadcast_in_dim3A_140 = vector.broadcast %add3A_133 : i32 to vector<16xi32>
        %broadcast_in_dim3A_141 = vector.broadcast %mul3A_138 : i32 to vector<16xi32>
        %add3A_142 = arith.addi %broadcast_in_dim3A_141, %iota3A : vector<16xi32>
        %add3A_143 = arith.constant 16 : i32
        %add3A_144 = vector.broadcast %add3A_143 : i32 to vector<16xi32>
        %add3A_145 = arith.addi %add3A_142, %add3A_144 : vector<16xi32>
        %get3A = arith.index_cast %add3A_136 : i32 to index
        %get3A_146 = arith.constant 0 : index
        %get3A_147 = tpu.vector_load %arg10[%get3A, %get3A_146] {strides = array<i32>} : memref<256x32xf32, #tpu.memory_space<vmem>>, vector<16xf32>,
        %get3A_148 = arith.index_cast %add3A_136 : i32 to index
        %get3A_149 = arith.constant 16 : index
        %get3A_150 = tpu.vector_load %arg10[%get3A_148, %get3A_149] {strides = array<i32>} : memref<256x32xf32, #tpu.memory_space<vmem>>, vector<16xf32>,
        %sub3A = arith.constant 1.000000e+00 : f32
        %sub3A_151 = vector.broadcast %sub3A : f32 to vector<16xf32>
        %sub3A_152 = arith.subf %get3A_147, %sub3A_151 : vector<16xf32>
        %mul3A_153 = arith.constant 1.000000e+09 : f32
        %mul3A_154 = vector.broadcast %mul3A_153 : f32 to vector<16xf32>
        %mul3A_155 = arith.mulf %sub3A_152, %mul3A_154 : vector<16xf32>
        %sub3A_156 = arith.constant 1.000000e+00 : f32
        %sub3A_157 = vector.broadcast %sub3A_156 : f32 to vector<16xf32>
        %sub3A_158 = arith.subf %get3A_150, %sub3A_157 : vector<16xf32>
        %mul3A_159 = arith.constant 1.000000e+09 : f32
        %mul3A_160 = vector.broadcast %mul3A_159 : f32 to vector<16xf32>
        %mul3A_161 = arith.mulf %sub3A_158, %mul3A_160 : vector<16xf32>
        %broadcast_in_dim3A_162 = arith.constant 0.000000e+00 : f32
        %broadcast_in_dim3A_163 = vector.broadcast %broadcast_in_dim3A_162 : f32 to vector<16xf32>
        %scan3A_164 = arith.constant 0 : i32
        %scan3A_165 = arith.constant 0 : i32
        %scan3A_166 = arith.constant 8 : i32
        %scan3A_167 = arith.addi %scan3A_165, %scan3A_166 : i32
        %scan3A_168 = arith.constant 1 : i32
        %scan3A_169 = scf.for %scan3A_172 = %scan3A_165 to %scan3A_167 step %scan3A_168 iter_args(%scan3A_173 = %scan3A_164) -> (i32)  : i32 {
          %mul3A_174 = arith.constant 32 : i32
          %mul3A_175 = arith.muli %scan3A_172, %mul3A_174 : i32
          %get3A_176 = arith.index_cast %rem3A_89 : i32 to index
          %get3A_177 = arith.index_cast %add3A_133 : i32 to index
          %get3A_178 = arith.index_cast %mul3A_175 : i32 to index
          %get3A_179 = tpu.vector_load %arg8[%get3A_176, %get3A_177, %get3A_178] {strides = array<i32>} : memref<2x16x256xf32, #tpu.memory_space<vmem>>, vector<16xf32>,
          %add3A_180 = arith.constant 16 : i32
          %add3A_181 = arith.addi %mul3A_175, %add3A_180 : i32
          %get3A_182 = arith.index_cast %rem3A_89 : i32 to index
          %get3A_183 = arith.index_cast %add3A_133 : i32 to index
          %get3A_184 = arith.index_cast %add3A_181 : i32 to index
          %get3A_185 = tpu.vector_load %arg8[%get3A_182, %get3A_183, %get3A_184] {strides = array<i32>} : memref<2x16x256xf32, #tpu.memory_space<vmem>>, vector<16xf32>,
          %broadcast_in_dim3A_186 = vector.broadcast %mul3A_175 : i32 to vector<16xi32>
          %slice3A = vector.extract_strided_slice %get3A_179 {offsets = [0], sizes = [1], strides = [1]} : vector<16xf32> to vector<1xf32>
          %squeeze3A = vector.extract %slice3A[0] : f32 from vector<1xf32>
          %add3A_187 = arith.constant 0 : i32
          %add3A_188 = vector.broadcast %add3A_187 : i32 to vector<16xi32>
          %add3A_189 = arith.addi %broadcast_in_dim3A_186, %add3A_188 : vector<16xi32>
          %gather3A = tpu.vector_load_idx %arg12[%broadcast_in_dim3A_139, %add3A_142, %add3A_189] : memref<2x64x512xf32, #tpu.memory_space<vmem>>[vector<16xi32>, vector<16xi32>, vector<16xi32>], vector<16xf32>,
          %gather3A_190 = tpu.vector_load_idx %arg12[%broadcast_in_dim3A_139, %add3A_145, %add3A_189] : memref<2x64x512xf32, #tpu.memory_space<vmem>>[vector<16xi32>, vector<16xi32>, vector<16xi32>], vector<16xf32>,
          %mul3A_191 = vector.broadcast %squeeze3A : f32 to vector<16xf32>
          %mul3A_192 = arith.mulf %mul3A_191, %gather3A : vector<16xf32>
          %add3A_193 = arith.addf %broadcast_in_dim3A_163, %mul3A_192 : vector<16xf32>
          %mul3A_194 = vector.broadcast %squeeze3A : f32 to vector<16xf32>
          %mul3A_195 = arith.mulf %mul3A_194, %gather3A_190 : vector<16xf32>
          %add3A_196 = arith.addf %broadcast_in_dim3A_163, %mul3A_195 : vector<16xf32>
          %slice3A_197 = vector.extract_strided_slice %get3A_179 {offsets = [1], sizes = [1], strides = [1]} : vector<16xf32> to vector<1xf32>
          %squeeze3A_198 = vector.extract %slice3A_197[0] : f32 from vector<1xf32>
          %add3A_199 = arith.constant 1 : i32
          %add3A_200 = vector.broadcast %add3A_199 : i32 to vector<16xi32>
          %add3A_201 = arith.addi %broadcast_in_dim3A_186, %add3A_200 : vector<16xi32>
          %gather3A_202 = tpu.vector_load_idx %arg12[%broadcast_in_dim3A_139, %add3A_142, %add3A_201] : memref<2x64x512xf32, #tpu.memory_space<vmem>>[vector<16xi32>, vector<16xi32>, vector<16xi32>], vector<16xf32>,
          %gather3A_203 = tpu.vector_load_idx %arg12[%broadcast_in_dim3A_139, %add3A_145, %add3A_201] : memref<2x64x512xf32, #tpu.memory_space<vmem>>[vector<16xi32>, vector<16xi32>, vector<16xi32>], vector<16xf32>,
          %mul3A_204 = vector.broadcast %squeeze3A_198 : f32 to vector<16xf32>
          %mul3A_205 = arith.mulf %mul3A_204, %gather3A_202 : vector<16xf32>
          %add3A_206 = arith.addf %add3A_193, %mul3A_205 : vector<16xf32>
          %mul3A_207 = vector.broadcast %squeeze3A_198 : f32 to vector<16xf32>
          %mul3A_208 = arith.mulf %mul3A_207, %gather3A_203 : vector<16xf32>
          %add3A_209 = arith.addf %add3A_196, %mul3A_208 : vector<16xf32>
          %slice3A_210 = vector.extract_strided_slice %get3A_179 {offsets = [2], sizes = [1], strides = [1]} : vector<16xf32> to vector<1xf32>
          %squeeze3A_211 = vector.extract %slice3A_210[0] : f32 from vector<1xf32>
          %add3A_212 = arith.constant 2 : i32
          %add3A_213 = vector.broadcast %add3A_212 : i32 to vector<16xi32>
          %add3A_214 = arith.addi %broadcast_in_dim3A_186, %add3A_213 : vector<16xi32>
          %gather3A_215 = tpu.vector_load_idx %arg12[%broadcast_in_dim3A_139, %add3A_142, %add3A_214] : memref<2x64x512xf32, #tpu.memory_space<vmem>>[vector<16xi32>, vector<16xi32>, vector<16xi32>], vector<16xf32>,
          %gather3A_216 = tpu.vector_load_idx %arg12[%broadcast_in_dim3A_139, %add3A_145, %add3A_214] : memref<2x64x512xf32, #tpu.memory_space<vmem>>[vector<16xi32>, vector<16xi32>, vector<16xi32>], vector<16xf32>,
          %mul3A_217 = vector.broadcast %squeeze3A_211 : f32 to vector<16xf32>
          %mul3A_218 = arith.mulf %mul3A_217, %gather3A_215 : vector<16xf32>
          %add3A_219 = arith.addf %add3A_206, %mul3A_218 : vector<16xf32>
          %mul3A_220 = vector.broadcast %squeeze3A_211 : f32 to vector<16xf32>
          %mul3A_221 = arith.mulf %mul3A_220, %gather3A_216 : vector<16xf32>
          %add3A_222 = arith.addf %add3A_209, %mul3A_221 : vector<16xf32>
          %slice3A_223 = vector.extract_strided_slice %get3A_179 {offsets = [3], sizes = [1], strides = [1]} : vector<16xf32> to vector<1xf32>
          %squeeze3A_224 = vector.extract %slice3A_223[0] : f32 from vector<1xf32>
          %add3A_225 = arith.constant 3 : i32
          %add3A_226 = vector.broadcast %add3A_225 : i32 to vector<16xi32>
          %add3A_227 = arith.addi %broadcast_in_dim3A_186, %add3A_226 : vector<16xi32>
          %gather3A_228 = tpu.vector_load_idx %arg12[%broadcast_in_dim3A_139, %add3A_142, %add3A_227] : memref<2x64x512xf32, #tpu.memory_space<vmem>>[vector<16xi32>, vector<16xi32>, vector<16xi32>], vector<16xf32>,
          %gather3A_229 = tpu.vector_load_idx %arg12[%broadcast_in_dim3A_139, %add3A_145, %add3A_227] : memref<2x64x512xf32, #tpu.memory_space<vmem>>[vector<16xi32>, vector<16xi32>, vector<16xi32>], vector<16xf32>,
          %mul3A_230 = vector.broadcast %squeeze3A_224 : f32 to vector<16xf32>
          %mul3A_231 = arith.mulf %mul3A_230, %gather3A_228 : vector<16xf32>
          %add3A_232 = arith.addf %add3A_219, %mul3A_231 : vector<16xf32>
          %mul3A_233 = vector.broadcast %squeeze3A_224 : f32 to vector<16xf32>
          %mul3A_234 = arith.mulf %mul3A_233, %gather3A_229 : vector<16xf32>
          %add3A_235 = arith.addf %add3A_222, %mul3A_234 : vector<16xf32>
          %slice3A_236 = vector.extract_strided_slice %get3A_179 {offsets = [4], sizes = [1], strides = [1]} : vector<16xf32> to vector<1xf32>
          %squeeze3A_237 = vector.extract %slice3A_236[0] : f32 from vector<1xf32>
          %add3A_238 = arith.constant 4 : i32
          %add3A_239 = vector.broadcast %add3A_238 : i32 to vector<16xi32>
          %add3A_240 = arith.addi %broadcast_in_dim3A_186, %add3A_239 : vector<16xi32>
          %gather3A_241 = tpu.vector_load_idx %arg12[%broadcast_in_dim3A_139, %add3A_142, %add3A_240] : memref<2x64x512xf32, #tpu.memory_space<vmem>>[vector<16xi32>, vector<16xi32>, vector<16xi32>], vector<16xf32>,
          %gather3A_242 = tpu.vector_load_idx %arg12[%broadcast_in_dim3A_139, %add3A_145, %add3A_240] : memref<2x64x512xf32, #tpu.memory_space<vmem>>[vector<16xi32>, vector<16xi32>, vector<16xi32>], vector<16xf32>,
          %mul3A_243 = vector.broadcast %squeeze3A_237 : f32 to vector<16xf32>
          %mul3A_244 = arith.mulf %mul3A_243, %gather3A_241 : vector<16xf32>
          %add3A_245 = arith.addf %add3A_232, %mul3A_244 : vector<16xf32>
          %mul3A_246 = vector.broadcast %squeeze3A_237 : f32 to vector<16xf32>
          %mul3A_247 = arith.mulf %mul3A_246, %gather3A_242 : vector<16xf32>
          %add3A_248 = arith.addf %add3A_235, %mul3A_247 : vector<16xf32>
          %slice3A_249 = vector.extract_strided_slice %get3A_179 {offsets = [5], sizes = [1], strides = [1]} : vector<16xf32> to vector<1xf32>
          %squeeze3A_250 = vector.extract %slice3A_249[0] : f32 from vector<1xf32>
          %add3A_251 = arith.constant 5 : i32
          %add3A_252 = vector.broadcast %add3A_251 : i32 to vector<16xi32>
          %add3A_253 = arith.addi %broadcast_in_dim3A_186, %add3A_252 : vector<16xi32>
          %gather3A_254 = tpu.vector_load_idx %arg12[%broadcast_in_dim3A_139, %add3A_142, %add3A_253] : memref<2x64x512xf32, #tpu.memory_space<vmem>>[vector<16xi32>, vector<16xi32>, vector<16xi32>], vector<16xf32>,
          %gather3A_255 = tpu.vector_load_idx %arg12[%broadcast_in_dim3A_139, %add3A_145, %add3A_253] : memref<2x64x512xf32, #tpu.memory_space<vmem>>[vector<16xi32>, vector<16xi32>, vector<16xi32>], vector<16xf32>,
          %mul3A_256 = vector.broadcast %squeeze3A_250 : f32 to vector<16xf32>
          %mul3A_257 = arith.mulf %mul3A_256, %gather3A_254 : vector<16xf32>
          %add3A_258 = arith.addf %add3A_245, %mul3A_257 : vector<16xf32>
          %mul3A_259 = vector.broadcast %squeeze3A_250 : f32 to vector<16xf32>
          %mul3A_260 = arith.mulf %mul3A_259, %gather3A_255 : vector<16xf32>
          %add3A_261 = arith.addf %add3A_248, %mul3A_260 : vector<16xf32>
          %slice3A_262 = vector.extract_strided_slice %get3A_179 {offsets = [6], sizes = [1], strides = [1]} : vector<16xf32> to vector<1xf32>
          %squeeze3A_263 = vector.extract %slice3A_262[0] : f32 from vector<1xf32>
          %add3A_264 = arith.constant 6 : i32
          %add3A_265 = vector.broadcast %add3A_264 : i32 to vector<16xi32>
          %add3A_266 = arith.addi %broadcast_in_dim3A_186, %add3A_265 : vector<16xi32>
          %gather3A_267 = tpu.vector_load_idx %arg12[%broadcast_in_dim3A_139, %add3A_142, %add3A_266] : memref<2x64x512xf32, #tpu.memory_space<vmem>>[vector<16xi32>, vector<16xi32>, vector<16xi32>], vector<16xf32>,
          %gather3A_268 = tpu.vector_load_idx %arg12[%broadcast_in_dim3A_139, %add3A_145, %add3A_266] : memref<2x64x512xf32, #tpu.memory_space<vmem>>[vector<16xi32>, vector<16xi32>, vector<16xi32>], vector<16xf32>,
          %mul3A_269 = vector.broadcast %squeeze3A_263 : f32 to vector<16xf32>
          %mul3A_270 = arith.mulf %mul3A_269, %gather3A_267 : vector<16xf32>
          %add3A_271 = arith.addf %add3A_258, %mul3A_270 : vector<16xf32>
          %mul3A_272 = vector.broadcast %squeeze3A_263 : f32 to vector<16xf32>
          %mul3A_273 = arith.mulf %mul3A_272, %gather3A_268 : vector<16xf32>
          %add3A_274 = arith.addf %add3A_261, %mul3A_273 : vector<16xf32>
          %slice3A_275 = vector.extract_strided_slice %get3A_179 {offsets = [7], sizes = [1], strides = [1]} : vector<16xf32> to vector<1xf32>
          %squeeze3A_276 = vector.extract %slice3A_275[0] : f32 from vector<1xf32>
          %add3A_277 = arith.constant 7 : i32
          %add3A_278 = vector.broadcast %add3A_277 : i32 to vector<16xi32>
          %add3A_279 = arith.addi %broadcast_in_dim3A_186, %add3A_278 : vector<16xi32>
          %gather3A_280 = tpu.vector_load_idx %arg12[%broadcast_in_dim3A_139, %add3A_142, %add3A_279] : memref<2x64x512xf32, #tpu.memory_space<vmem>>[vector<16xi32>, vector<16xi32>, vector<16xi32>], vector<16xf32>,
          %gather3A_281 = tpu.vector_load_idx %arg12[%broadcast_in_dim3A_139, %add3A_145, %add3A_279] : memref<2x64x512xf32, #tpu.memory_space<vmem>>[vector<16xi32>, vector<16xi32>, vector<16xi32>], vector<16xf32>,
          %mul3A_282 = vector.broadcast %squeeze3A_276 : f32 to vector<16xf32>
          %mul3A_283 = arith.mulf %mul3A_282, %gather3A_280 : vector<16xf32>
          %add3A_284 = arith.addf %add3A_271, %mul3A_283 : vector<16xf32>
          %mul3A_285 = vector.broadcast %squeeze3A_276 : f32 to vector<16xf32>
          %mul3A_286 = arith.mulf %mul3A_285, %gather3A_281 : vector<16xf32>
          %add3A_287 = arith.addf %add3A_274, %mul3A_286 : vector<16xf32>
          %slice3A_288 = vector.extract_strided_slice %get3A_179 {offsets = [8], sizes = [1], strides = [1]} : vector<16xf32> to vector<1xf32>
          %squeeze3A_289 = vector.extract %slice3A_288[0] : f32 from vector<1xf32>
          %add3A_290 = arith.constant 8 : i32
          %add3A_291 = vector.broadcast %add3A_290 : i32 to vector<16xi32>
          %add3A_292 = arith.addi %broadcast_in_dim3A_186, %add3A_291 : vector<16xi32>
          %gather3A_293 = tpu.vector_load_idx %arg12[%broadcast_in_dim3A_139, %add3A_142, %add3A_292] : memref<2x64x512xf32, #tpu.memory_space<vmem>>[vector<16xi32>, vector<16xi32>, vector<16xi32>], vector<16xf32>,
          %gather3A_294 = tpu.vector_load_idx %arg12[%broadcast_in_dim3A_139, %add3A_145, %add3A_292] : memref<2x64x512xf32, #tpu.memory_space<vmem>>[vector<16xi32>, vector<16xi32>, vector<16xi32>], vector<16xf32>,
          %mul3A_295 = vector.broadcast %squeeze3A_289 : f32 to vector<16xf32>
          %mul3A_296 = arith.mulf %mul3A_295, %gather3A_293 : vector<16xf32>
          %add3A_297 = arith.addf %add3A_284, %mul3A_296 : vector<16xf32>
          %mul3A_298 = vector.broadcast %squeeze3A_289 : f32 to vector<16xf32>
          %mul3A_299 = arith.mulf %mul3A_298, %gather3A_294 : vector<16xf32>
          %add3A_300 = arith.addf %add3A_287, %mul3A_299 : vector<16xf32>
          %slice3A_301 = vector.extract_strided_slice %get3A_179 {offsets = [9], sizes = [1], strides = [1]} : vector<16xf32> to vector<1xf32>
          %squeeze3A_302 = vector.extract %slice3A_301[0] : f32 from vector<1xf32>
          %add3A_303 = arith.constant 9 : i32
          %add3A_304 = vector.broadcast %add3A_303 : i32 to vector<16xi32>
          %add3A_305 = arith.addi %broadcast_in_dim3A_186, %add3A_304 : vector<16xi32>
          %gather3A_306 = tpu.vector_load_idx %arg12[%broadcast_in_dim3A_139, %add3A_142, %add3A_305] : memref<2x64x512xf32, #tpu.memory_space<vmem>>[vector<16xi32>, vector<16xi32>, vector<16xi32>], vector<16xf32>,
          %gather3A_307 = tpu.vector_load_idx %arg12[%broadcast_in_dim3A_139, %add3A_145, %add3A_305] : memref<2x64x512xf32, #tpu.memory_space<vmem>>[vector<16xi32>, vector<16xi32>, vector<16xi32>], vector<16xf32>,
          %mul3A_308 = vector.broadcast %squeeze3A_302 : f32 to vector<16xf32>
          %mul3A_309 = arith.mulf %mul3A_308, %gather3A_306 : vector<16xf32>
          %add3A_310 = arith.addf %add3A_297, %mul3A_309 : vector<16xf32>
          %mul3A_311 = vector.broadcast %squeeze3A_302 : f32 to vector<16xf32>
          %mul3A_312 = arith.mulf %mul3A_311, %gather3A_307 : vector<16xf32>
          %add3A_313 = arith.addf %add3A_300, %mul3A_312 : vector<16xf32>
          %slice3A_314 = vector.extract_strided_slice %get3A_179 {offsets = [10], sizes = [1], strides = [1]} : vector<16xf32> to vector<1xf32>
          %squeeze3A_315 = vector.extract %slice3A_314[0] : f32 from vector<1xf32>
          %add3A_316 = arith.constant 10 : i32
          %add3A_317 = vector.broadcast %add3A_316 : i32 to vector<16xi32>
          %add3A_318 = arith.addi %broadcast_in_dim3A_186, %add3A_317 : vector<16xi32>
          %gather3A_319 = tpu.vector_load_idx %arg12[%broadcast_in_dim3A_139, %add3A_142, %add3A_318] : memref<2x64x512xf32, #tpu.memory_space<vmem>>[vector<16xi32>, vector<16xi32>, vector<16xi32>], vector<16xf32>,
          %gather3A_320 = tpu.vector_load_idx %arg12[%broadcast_in_dim3A_139, %add3A_145, %add3A_318] : memref<2x64x512xf32, #tpu.memory_space<vmem>>[vector<16xi32>, vector<16xi32>, vector<16xi32>], vector<16xf32>,
          %mul3A_321 = vector.broadcast %squeeze3A_315 : f32 to vector<16xf32>
          %mul3A_322 = arith.mulf %mul3A_321, %gather3A_319 : vector<16xf32>
          %add3A_323 = arith.addf %add3A_310, %mul3A_322 : vector<16xf32>
          %mul3A_324 = vector.broadcast %squeeze3A_315 : f32 to vector<16xf32>
          %mul3A_325 = arith.mulf %mul3A_324, %gather3A_320 : vector<16xf32>
          %add3A_326 = arith.addf %add3A_313, %mul3A_325 : vector<16xf32>
          %slice3A_327 = vector.extract_strided_slice %get3A_179 {offsets = [11], sizes = [1], strides = [1]} : vector<16xf32> to vector<1xf32>
          %squeeze3A_328 = vector.extract %slice3A_327[0] : f32 from vector<1xf32>
          %add3A_329 = arith.constant 11 : i32
          %add3A_330 = vector.broadcast %add3A_329 : i32 to vector<16xi32>
          %add3A_331 = arith.addi %broadcast_in_dim3A_186, %add3A_330 : vector<16xi32>
          %gather3A_332 = tpu.vector_load_idx %arg12[%broadcast_in_dim3A_139, %add3A_142, %add3A_331] : memref<2x64x512xf32, #tpu.memory_space<vmem>>[vector<16xi32>, vector<16xi32>, vector<16xi32>], vector<16xf32>,
          %gather3A_333 = tpu.vector_load_idx %arg12[%broadcast_in_dim3A_139, %add3A_145, %add3A_331] : memref<2x64x512xf32, #tpu.memory_space<vmem>>[vector<16xi32>, vector<16xi32>, vector<16xi32>], vector<16xf32>,
          %mul3A_334 = vector.broadcast %squeeze3A_328 : f32 to vector<16xf32>
          %mul3A_335 = arith.mulf %mul3A_334, %gather3A_332 : vector<16xf32>
          %add3A_336 = arith.addf %add3A_323, %mul3A_335 : vector<16xf32>
          %mul3A_337 = vector.broadcast %squeeze3A_328 : f32 to vector<16xf32>
          %mul3A_338 = arith.mulf %mul3A_337, %gather3A_333 : vector<16xf32>
          %add3A_339 = arith.addf %add3A_326, %mul3A_338 : vector<16xf32>
          %slice3A_340 = vector.extract_strided_slice %get3A_179 {offsets = [12], sizes = [1], strides = [1]} : vector<16xf32> to vector<1xf32>
          %squeeze3A_341 = vector.extract %slice3A_340[0] : f32 from vector<1xf32>
          %add3A_342 = arith.constant 12 : i32
          %add3A_343 = vector.broadcast %add3A_342 : i32 to vector<16xi32>
          %add3A_344 = arith.addi %broadcast_in_dim3A_186, %add3A_343 : vector<16xi32>
          %gather3A_345 = tpu.vector_load_idx %arg12[%broadcast_in_dim3A_139, %add3A_142, %add3A_344] : memref<2x64x512xf32, #tpu.memory_space<vmem>>[vector<16xi32>, vector<16xi32>, vector<16xi32>], vector<16xf32>,
          %gather3A_346 = tpu.vector_load_idx %arg12[%broadcast_in_dim3A_139, %add3A_145, %add3A_344] : memref<2x64x512xf32, #tpu.memory_space<vmem>>[vector<16xi32>, vector<16xi32>, vector<16xi32>], vector<16xf32>,
          %mul3A_347 = vector.broadcast %squeeze3A_341 : f32 to vector<16xf32>
          %mul3A_348 = arith.mulf %mul3A_347, %gather3A_345 : vector<16xf32>
          %add3A_349 = arith.addf %add3A_336, %mul3A_348 : vector<16xf32>
          %mul3A_350 = vector.broadcast %squeeze3A_341 : f32 to vector<16xf32>
          %mul3A_351 = arith.mulf %mul3A_350, %gather3A_346 : vector<16xf32>
          %add3A_352 = arith.addf %add3A_339, %mul3A_351 : vector<16xf32>
          %slice3A_353 = vector.extract_strided_slice %get3A_179 {offsets = [13], sizes = [1], strides = [1]} : vector<16xf32> to vector<1xf32>
          %squeeze3A_354 = vector.extract %slice3A_353[0] : f32 from vector<1xf32>
          %add3A_355 = arith.constant 13 : i32
          %add3A_356 = vector.broadcast %add3A_355 : i32 to vector<16xi32>
          %add3A_357 = arith.addi %broadcast_in_dim3A_186, %add3A_356 : vector<16xi32>
          %gather3A_358 = tpu.vector_load_idx %arg12[%broadcast_in_dim3A_139, %add3A_142, %add3A_357] : memref<2x64x512xf32, #tpu.memory_space<vmem>>[vector<16xi32>, vector<16xi32>, vector<16xi32>], vector<16xf32>,
          %gather3A_359 = tpu.vector_load_idx %arg12[%broadcast_in_dim3A_139, %add3A_145, %add3A_357] : memref<2x64x512xf32, #tpu.memory_space<vmem>>[vector<16xi32>, vector<16xi32>, vector<16xi32>], vector<16xf32>,
          %mul3A_360 = vector.broadcast %squeeze3A_354 : f32 to vector<16xf32>
          %mul3A_361 = arith.mulf %mul3A_360, %gather3A_358 : vector<16xf32>
          %add3A_362 = arith.addf %add3A_349, %mul3A_361 : vector<16xf32>
          %mul3A_363 = vector.broadcast %squeeze3A_354 : f32 to vector<16xf32>
          %mul3A_364 = arith.mulf %mul3A_363, %gather3A_359 : vector<16xf32>
          %add3A_365 = arith.addf %add3A_352, %mul3A_364 : vector<16xf32>
          %slice3A_366 = vector.extract_strided_slice %get3A_179 {offsets = [14], sizes = [1], strides = [1]} : vector<16xf32> to vector<1xf32>
          %squeeze3A_367 = vector.extract %slice3A_366[0] : f32 from vector<1xf32>
          %add3A_368 = arith.constant 14 : i32
          %add3A_369 = vector.broadcast %add3A_368 : i32 to vector<16xi32>
          %add3A_370 = arith.addi %broadcast_in_dim3A_186, %add3A_369 : vector<16xi32>
          %gather3A_371 = tpu.vector_load_idx %arg12[%broadcast_in_dim3A_139, %add3A_142, %add3A_370] : memref<2x64x512xf32, #tpu.memory_space<vmem>>[vector<16xi32>, vector<16xi32>, vector<16xi32>], vector<16xf32>,
          %gather3A_372 = tpu.vector_load_idx %arg12[%broadcast_in_dim3A_139, %add3A_145, %add3A_370] : memref<2x64x512xf32, #tpu.memory_space<vmem>>[vector<16xi32>, vector<16xi32>, vector<16xi32>], vector<16xf32>,
          %mul3A_373 = vector.broadcast %squeeze3A_367 : f32 to vector<16xf32>
          %mul3A_374 = arith.mulf %mul3A_373, %gather3A_371 : vector<16xf32>
          %add3A_375 = arith.addf %add3A_362, %mul3A_374 : vector<16xf32>
          %mul3A_376 = vector.broadcast %squeeze3A_367 : f32 to vector<16xf32>
          %mul3A_377 = arith.mulf %mul3A_376, %gather3A_372 : vector<16xf32>
          %add3A_378 = arith.addf %add3A_365, %mul3A_377 : vector<16xf32>
          %slice3A_379 = vector.extract_strided_slice %get3A_179 {offsets = [15], sizes = [1], strides = [1]} : vector<16xf32> to vector<1xf32>
          %squeeze3A_380 = vector.extract %slice3A_379[0] : f32 from vector<1xf32>
          %add3A_381 = arith.constant 15 : i32
          %add3A_382 = vector.broadcast %add3A_381 : i32 to vector<16xi32>
          %add3A_383 = arith.addi %broadcast_in_dim3A_186, %add3A_382 : vector<16xi32>
          %gather3A_384 = tpu.vector_load_idx %arg12[%broadcast_in_dim3A_139, %add3A_142, %add3A_383] : memref<2x64x512xf32, #tpu.memory_space<vmem>>[vector<16xi32>, vector<16xi32>, vector<16xi32>], vector<16xf32>,
          %gather3A_385 = tpu.vector_load_idx %arg12[%broadcast_in_dim3A_139, %add3A_145, %add3A_383] : memref<2x64x512xf32, #tpu.memory_space<vmem>>[vector<16xi32>, vector<16xi32>, vector<16xi32>], vector<16xf32>,
          %mul3A_386 = vector.broadcast %squeeze3A_380 : f32 to vector<16xf32>
          %mul3A_387 = arith.mulf %mul3A_386, %gather3A_384 : vector<16xf32>
          %add3A_388 = arith.addf %add3A_375, %mul3A_387 : vector<16xf32>
          %mul3A_389 = vector.broadcast %squeeze3A_380 : f32 to vector<16xf32>
          %mul3A_390 = arith.mulf %mul3A_389, %gather3A_385 : vector<16xf32>
          %add3A_391 = arith.addf %add3A_378, %mul3A_390 : vector<16xf32>
          %slice3A_392 = vector.extract_strided_slice %get3A_185 {offsets = [0], sizes = [1], strides = [1]} : vector<16xf32> to vector<1xf32>
          %squeeze3A_393 = vector.extract %slice3A_392[0] : f32 from vector<1xf32>
          %add3A_394 = arith.constant 16 : i32
          %add3A_395 = vector.broadcast %add3A_394 : i32 to vector<16xi32>
          %add3A_396 = arith.addi %broadcast_in_dim3A_186, %add3A_395 : vector<16xi32>
          %gather3A_397 = tpu.vector_load_idx %arg12[%broadcast_in_dim3A_139, %add3A_142, %add3A_396] : memref<2x64x512xf32, #tpu.memory_space<vmem>>[vector<16xi32>, vector<16xi32>, vector<16xi32>], vector<16xf32>,
          %gather3A_398 = tpu.vector_load_idx %arg12[%broadcast_in_dim3A_139, %add3A_145, %add3A_396] : memref<2x64x512xf32, #tpu.memory_space<vmem>>[vector<16xi32>, vector<16xi32>, vector<16xi32>], vector<16xf32>,
          %mul3A_399 = vector.broadcast %squeeze3A_393 : f32 to vector<16xf32>
          %mul3A_400 = arith.mulf %mul3A_399, %gather3A_397 : vector<16xf32>
          %add3A_401 = arith.addf %add3A_388, %mul3A_400 : vector<16xf32>
          %mul3A_402 = vector.broadcast %squeeze3A_393 : f32 to vector<16xf32>
          %mul3A_403 = arith.mulf %mul3A_402, %gather3A_398 : vector<16xf32>
          %add3A_404 = arith.addf %add3A_391, %mul3A_403 : vector<16xf32>
          %slice3A_405 = vector.extract_strided_slice %get3A_185 {offsets = [1], sizes = [1], strides = [1]} : vector<16xf32> to vector<1xf32>
          %squeeze3A_406 = vector.extract %slice3A_405[0] : f32 from vector<1xf32>
          %add3A_407 = arith.constant 17 : i32
          %add3A_408 = vector.broadcast %add3A_407 : i32 to vector<16xi32>
          %add3A_409 = arith.addi %broadcast_in_dim3A_186, %add3A_408 : vector<16xi32>
          %gather3A_410 = tpu.vector_load_idx %arg12[%broadcast_in_dim3A_139, %add3A_142, %add3A_409] : memref<2x64x512xf32, #tpu.memory_space<vmem>>[vector<16xi32>, vector<16xi32>, vector<16xi32>], vector<16xf32>,
          %gather3A_411 = tpu.vector_load_idx %arg12[%broadcast_in_dim3A_139, %add3A_145, %add3A_409] : memref<2x64x512xf32, #tpu.memory_space<vmem>>[vector<16xi32>, vector<16xi32>, vector<16xi32>], vector<16xf32>,
          %mul3A_412 = vector.broadcast %squeeze3A_406 : f32 to vector<16xf32>
          %mul3A_413 = arith.mulf %mul3A_412, %gather3A_410 : vector<16xf32>
          %add3A_414 = arith.addf %add3A_401, %mul3A_413 : vector<16xf32>
          %mul3A_415 = vector.broadcast %squeeze3A_406 : f32 to vector<16xf32>
          %mul3A_416 = arith.mulf %mul3A_415, %gather3A_411 : vector<16xf32>
          %add3A_417 = arith.addf %add3A_404, %mul3A_416 : vector<16xf32>
          %slice3A_418 = vector.extract_strided_slice %get3A_185 {offsets = [2], sizes = [1], strides = [1]} : vector<16xf32> to vector<1xf32>
          %squeeze3A_419 = vector.extract %slice3A_418[0] : f32 from vector<1xf32>
          %add3A_420 = arith.constant 18 : i32
          %add3A_421 = vector.broadcast %add3A_420 : i32 to vector<16xi32>
          %add3A_422 = arith.addi %broadcast_in_dim3A_186, %add3A_421 : vector<16xi32>
          %gather3A_423 = tpu.vector_load_idx %arg12[%broadcast_in_dim3A_139, %add3A_142, %add3A_422] : memref<2x64x512xf32, #tpu.memory_space<vmem>>[vector<16xi32>, vector<16xi32>, vector<16xi32>], vector<16xf32>,
          %gather3A_424 = tpu.vector_load_idx %arg12[%broadcast_in_dim3A_139, %add3A_145, %add3A_422] : memref<2x64x512xf32, #tpu.memory_space<vmem>>[vector<16xi32>, vector<16xi32>, vector<16xi32>], vector<16xf32>,
          %mul3A_425 = vector.broadcast %squeeze3A_419 : f32 to vector<16xf32>
          %mul3A_426 = arith.mulf %mul3A_425, %gather3A_423 : vector<16xf32>
          %add3A_427 = arith.addf %add3A_414, %mul3A_426 : vector<16xf32>
          %mul3A_428 = vector.broadcast %squeeze3A_419 : f32 to vector<16xf32>
          %mul3A_429 = arith.mulf %mul3A_428, %gather3A_424 : vector<16xf32>
          %add3A_430 = arith.addf %add3A_417, %mul3A_429 : vector<16xf32>
          %slice3A_431 = vector.extract_strided_slice %get3A_185 {offsets = [3], sizes = [1], strides = [1]} : vector<16xf32> to vector<1xf32>
          %squeeze3A_432 = vector.extract %slice3A_431[0] : f32 from vector<1xf32>
          %add3A_433 = arith.constant 19 : i32
          %add3A_434 = vector.broadcast %add3A_433 : i32 to vector<16xi32>
          %add3A_435 = arith.addi %broadcast_in_dim3A_186, %add3A_434 : vector<16xi32>
          %gather3A_436 = tpu.vector_load_idx %arg12[%broadcast_in_dim3A_139, %add3A_142, %add3A_435] : memref<2x64x512xf32, #tpu.memory_space<vmem>>[vector<16xi32>, vector<16xi32>, vector<16xi32>], vector<16xf32>,
          %gather3A_437 = tpu.vector_load_idx %arg12[%broadcast_in_dim3A_139, %add3A_145, %add3A_435] : memref<2x64x512xf32, #tpu.memory_space<vmem>>[vector<16xi32>, vector<16xi32>, vector<16xi32>], vector<16xf32>,
          %mul3A_438 = vector.broadcast %squeeze3A_432 : f32 to vector<16xf32>
          %mul3A_439 = arith.mulf %mul3A_438, %gather3A_436 : vector<16xf32>
          %add3A_440 = arith.addf %add3A_427, %mul3A_439 : vector<16xf32>
          %mul3A_441 = vector.broadcast %squeeze3A_432 : f32 to vector<16xf32>
          %mul3A_442 = arith.mulf %mul3A_441, %gather3A_437 : vector<16xf32>
          %add3A_443 = arith.addf %add3A_430, %mul3A_442 : vector<16xf32>
          %slice3A_444 = vector.extract_strided_slice %get3A_185 {offsets = [4], sizes = [1], strides = [1]} : vector<16xf32> to vector<1xf32>
          %squeeze3A_445 = vector.extract %slice3A_444[0] : f32 from vector<1xf32>
          %add3A_446 = arith.constant 20 : i32
          %add3A_447 = vector.broadcast %add3A_446 : i32 to vector<16xi32>
          %add3A_448 = arith.addi %broadcast_in_dim3A_186, %add3A_447 : vector<16xi32>
          %gather3A_449 = tpu.vector_load_idx %arg12[%broadcast_in_dim3A_139, %add3A_142, %add3A_448] : memref<2x64x512xf32, #tpu.memory_space<vmem>>[vector<16xi32>, vector<16xi32>, vector<16xi32>], vector<16xf32>,
          %gather3A_450 = tpu.vector_load_idx %arg12[%broadcast_in_dim3A_139, %add3A_145, %add3A_448] : memref<2x64x512xf32, #tpu.memory_space<vmem>>[vector<16xi32>, vector<16xi32>, vector<16xi32>], vector<16xf32>,
          %mul3A_451 = vector.broadcast %squeeze3A_445 : f32 to vector<16xf32>
          %mul3A_452 = arith.mulf %mul3A_451, %gather3A_449 : vector<16xf32>
          %add3A_453 = arith.addf %add3A_440, %mul3A_452 : vector<16xf32>
          %mul3A_454 = vector.broadcast %squeeze3A_445 : f32 to vector<16xf32>
          %mul3A_455 = arith.mulf %mul3A_454, %gather3A_450 : vector<16xf32>
          %add3A_456 = arith.addf %add3A_443, %mul3A_455 : vector<16xf32>
          %slice3A_457 = vector.extract_strided_slice %get3A_185 {offsets = [5], sizes = [1], strides = [1]} : vector<16xf32> to vector<1xf32>
          %squeeze3A_458 = vector.extract %slice3A_457[0] : f32 from vector<1xf32>
          %add3A_459 = arith.constant 21 : i32
          %add3A_460 = vector.broadcast %add3A_459 : i32 to vector<16xi32>
          %add3A_461 = arith.addi %broadcast_in_dim3A_186, %add3A_460 : vector<16xi32>
          %gather3A_462 = tpu.vector_load_idx %arg12[%broadcast_in_dim3A_139, %add3A_142, %add3A_461] : memref<2x64x512xf32, #tpu.memory_space<vmem>>[vector<16xi32>, vector<16xi32>, vector<16xi32>], vector<16xf32>,
          %gather3A_463 = tpu.vector_load_idx %arg12[%broadcast_in_dim3A_139, %add3A_145, %add3A_461] : memref<2x64x512xf32, #tpu.memory_space<vmem>>[vector<16xi32>, vector<16xi32>, vector<16xi32>], vector<16xf32>,
          %mul3A_464 = vector.broadcast %squeeze3A_458 : f32 to vector<16xf32>
          %mul3A_465 = arith.mulf %mul3A_464, %gather3A_462 : vector<16xf32>
          %add3A_466 = arith.addf %add3A_453, %mul3A_465 : vector<16xf32>
          %mul3A_467 = vector.broadcast %squeeze3A_458 : f32 to vector<16xf32>
          %mul3A_468 = arith.mulf %mul3A_467, %gather3A_463 : vector<16xf32>
          %add3A_469 = arith.addf %add3A_456, %mul3A_468 : vector<16xf32>
          %slice3A_470 = vector.extract_strided_slice %get3A_185 {offsets = [6], sizes = [1], strides = [1]} : vector<16xf32> to vector<1xf32>
          %squeeze3A_471 = vector.extract %slice3A_470[0] : f32 from vector<1xf32>
          %add3A_472 = arith.constant 22 : i32
          %add3A_473 = vector.broadcast %add3A_472 : i32 to vector<16xi32>
          %add3A_474 = arith.addi %broadcast_in_dim3A_186, %add3A_473 : vector<16xi32>
          %gather3A_475 = tpu.vector_load_idx %arg12[%broadcast_in_dim3A_139, %add3A_142, %add3A_474] : memref<2x64x512xf32, #tpu.memory_space<vmem>>[vector<16xi32>, vector<16xi32>, vector<16xi32>], vector<16xf32>,
          %gather3A_476 = tpu.vector_load_idx %arg12[%broadcast_in_dim3A_139, %add3A_145, %add3A_474] : memref<2x64x512xf32, #tpu.memory_space<vmem>>[vector<16xi32>, vector<16xi32>, vector<16xi32>], vector<16xf32>,
          %mul3A_477 = vector.broadcast %squeeze3A_471 : f32 to vector<16xf32>
          %mul3A_478 = arith.mulf %mul3A_477, %gather3A_475 : vector<16xf32>
          %add3A_479 = arith.addf %add3A_466, %mul3A_478 : vector<16xf32>
          %mul3A_480 = vector.broadcast %squeeze3A_471 : f32 to vector<16xf32>
          %mul3A_481 = arith.mulf %mul3A_480, %gather3A_476 : vector<16xf32>
          %add3A_482 = arith.addf %add3A_469, %mul3A_481 : vector<16xf32>
          %slice3A_483 = vector.extract_strided_slice %get3A_185 {offsets = [7], sizes = [1], strides = [1]} : vector<16xf32> to vector<1xf32>
          %squeeze3A_484 = vector.extract %slice3A_483[0] : f32 from vector<1xf32>
          %add3A_485 = arith.constant 23 : i32
          %add3A_486 = vector.broadcast %add3A_485 : i32 to vector<16xi32>
          %add3A_487 = arith.addi %broadcast_in_dim3A_186, %add3A_486 : vector<16xi32>
          %gather3A_488 = tpu.vector_load_idx %arg12[%broadcast_in_dim3A_139, %add3A_142, %add3A_487] : memref<2x64x512xf32, #tpu.memory_space<vmem>>[vector<16xi32>, vector<16xi32>, vector<16xi32>], vector<16xf32>,
          %gather3A_489 = tpu.vector_load_idx %arg12[%broadcast_in_dim3A_139, %add3A_145, %add3A_487] : memref<2x64x512xf32, #tpu.memory_space<vmem>>[vector<16xi32>, vector<16xi32>, vector<16xi32>], vector<16xf32>,
          %mul3A_490 = vector.broadcast %squeeze3A_484 : f32 to vector<16xf32>
          %mul3A_491 = arith.mulf %mul3A_490, %gather3A_488 : vector<16xf32>
          %add3A_492 = arith.addf %add3A_479, %mul3A_491 : vector<16xf32>
          %mul3A_493 = vector.broadcast %squeeze3A_484 : f32 to vector<16xf32>
          %mul3A_494 = arith.mulf %mul3A_493, %gather3A_489 : vector<16xf32>
          %add3A_495 = arith.addf %add3A_482, %mul3A_494 : vector<16xf32>
          %slice3A_496 = vector.extract_strided_slice %get3A_185 {offsets = [8], sizes = [1], strides = [1]} : vector<16xf32> to vector<1xf32>
          %squeeze3A_497 = vector.extract %slice3A_496[0] : f32 from vector<1xf32>
          %add3A_498 = arith.constant 24 : i32
          %add3A_499 = vector.broadcast %add3A_498 : i32 to vector<16xi32>
          %add3A_500 = arith.addi %broadcast_in_dim3A_186, %add3A_499 : vector<16xi32>
          %gather3A_501 = tpu.vector_load_idx %arg12[%broadcast_in_dim3A_139, %add3A_142, %add3A_500] : memref<2x64x512xf32, #tpu.memory_space<vmem>>[vector<16xi32>, vector<16xi32>, vector<16xi32>], vector<16xf32>,
          %gather3A_502 = tpu.vector_load_idx %arg12[%broadcast_in_dim3A_139, %add3A_145, %add3A_500] : memref<2x64x512xf32, #tpu.memory_space<vmem>>[vector<16xi32>, vector<16xi32>, vector<16xi32>], vector<16xf32>,
          %mul3A_503 = vector.broadcast %squeeze3A_497 : f32 to vector<16xf32>
          %mul3A_504 = arith.mulf %mul3A_503, %gather3A_501 : vector<16xf32>
          %add3A_505 = arith.addf %add3A_492, %mul3A_504 : vector<16xf32>
          %mul3A_506 = vector.broadcast %squeeze3A_497 : f32 to vector<16xf32>
          %mul3A_507 = arith.mulf %mul3A_506, %gather3A_502 : vector<16xf32>
          %add3A_508 = arith.addf %add3A_495, %mul3A_507 : vector<16xf32>
          %slice3A_509 = vector.extract_strided_slice %get3A_185 {offsets = [9], sizes = [1], strides = [1]} : vector<16xf32> to vector<1xf32>
          %squeeze3A_510 = vector.extract %slice3A_509[0] : f32 from vector<1xf32>
          %add3A_511 = arith.constant 25 : i32
          %add3A_512 = vector.broadcast %add3A_511 : i32 to vector<16xi32>
          %add3A_513 = arith.addi %broadcast_in_dim3A_186, %add3A_512 : vector<16xi32>
          %gather3A_514 = tpu.vector_load_idx %arg12[%broadcast_in_dim3A_139, %add3A_142, %add3A_513] : memref<2x64x512xf32, #tpu.memory_space<vmem>>[vector<16xi32>, vector<16xi32>, vector<16xi32>], vector<16xf32>,
          %gather3A_515 = tpu.vector_load_idx %arg12[%broadcast_in_dim3A_139, %add3A_145, %add3A_513] : memref<2x64x512xf32, #tpu.memory_space<vmem>>[vector<16xi32>, vector<16xi32>, vector<16xi32>], vector<16xf32>,
          %mul3A_516 = vector.broadcast %squeeze3A_510 : f32 to vector<16xf32>
          %mul3A_517 = arith.mulf %mul3A_516, %gather3A_514 : vector<16xf32>
          %add3A_518 = arith.addf %add3A_505, %mul3A_517 : vector<16xf32>
          %mul3A_519 = vector.broadcast %squeeze3A_510 : f32 to vector<16xf32>
          %mul3A_520 = arith.mulf %mul3A_519, %gather3A_515 : vector<16xf32>
          %add3A_521 = arith.addf %add3A_508, %mul3A_520 : vector<16xf32>
          %slice3A_522 = vector.extract_strided_slice %get3A_185 {offsets = [10], sizes = [1], strides = [1]} : vector<16xf32> to vector<1xf32>
          %squeeze3A_523 = vector.extract %slice3A_522[0] : f32 from vector<1xf32>
          %add3A_524 = arith.constant 26 : i32
          %add3A_525 = vector.broadcast %add3A_524 : i32 to vector<16xi32>
          %add3A_526 = arith.addi %broadcast_in_dim3A_186, %add3A_525 : vector<16xi32>
          %gather3A_527 = tpu.vector_load_idx %arg12[%broadcast_in_dim3A_139, %add3A_142, %add3A_526] : memref<2x64x512xf32, #tpu.memory_space<vmem>>[vector<16xi32>, vector<16xi32>, vector<16xi32>], vector<16xf32>,
          %gather3A_528 = tpu.vector_load_idx %arg12[%broadcast_in_dim3A_139, %add3A_145, %add3A_526] : memref<2x64x512xf32, #tpu.memory_space<vmem>>[vector<16xi32>, vector<16xi32>, vector<16xi32>], vector<16xf32>,
          %mul3A_529 = vector.broadcast %squeeze3A_523 : f32 to vector<16xf32>
          %mul3A_530 = arith.mulf %mul3A_529, %gather3A_527 : vector<16xf32>
          %add3A_531 = arith.addf %add3A_518, %mul3A_530 : vector<16xf32>
          %mul3A_532 = vector.broadcast %squeeze3A_523 : f32 to vector<16xf32>
          %mul3A_533 = arith.mulf %mul3A_532, %gather3A_528 : vector<16xf32>
          %add3A_534 = arith.addf %add3A_521, %mul3A_533 : vector<16xf32>
          %slice3A_535 = vector.extract_strided_slice %get3A_185 {offsets = [11], sizes = [1], strides = [1]} : vector<16xf32> to vector<1xf32>
          %squeeze3A_536 = vector.extract %slice3A_535[0] : f32 from vector<1xf32>
          %add3A_537 = arith.constant 27 : i32
          %add3A_538 = vector.broadcast %add3A_537 : i32 to vector<16xi32>
          %add3A_539 = arith.addi %broadcast_in_dim3A_186, %add3A_538 : vector<16xi32>
          %gather3A_540 = tpu.vector_load_idx %arg12[%broadcast_in_dim3A_139, %add3A_142, %add3A_539] : memref<2x64x512xf32, #tpu.memory_space<vmem>>[vector<16xi32>, vector<16xi32>, vector<16xi32>], vector<16xf32>,
          %gather3A_541 = tpu.vector_load_idx %arg12[%broadcast_in_dim3A_139, %add3A_145, %add3A_539] : memref<2x64x512xf32, #tpu.memory_space<vmem>>[vector<16xi32>, vector<16xi32>, vector<16xi32>], vector<16xf32>,
          %mul3A_542 = vector.broadcast %squeeze3A_536 : f32 to vector<16xf32>
          %mul3A_543 = arith.mulf %mul3A_542, %gather3A_540 : vector<16xf32>
          %add3A_544 = arith.addf %add3A_531, %mul3A_543 : vector<16xf32>
          %mul3A_545 = vector.broadcast %squeeze3A_536 : f32 to vector<16xf32>
          %mul3A_546 = arith.mulf %mul3A_545, %gather3A_541 : vector<16xf32>
          %add3A_547 = arith.addf %add3A_534, %mul3A_546 : vector<16xf32>
          %slice3A_548 = vector.extract_strided_slice %get3A_185 {offsets = [12], sizes = [1], strides = [1]} : vector<16xf32> to vector<1xf32>
          %squeeze3A_549 = vector.extract %slice3A_548[0] : f32 from vector<1xf32>
          %add3A_550 = arith.constant 28 : i32
          %add3A_551 = vector.broadcast %add3A_550 : i32 to vector<16xi32>
          %add3A_552 = arith.addi %broadcast_in_dim3A_186, %add3A_551 : vector<16xi32>
          %gather3A_553 = tpu.vector_load_idx %arg12[%broadcast_in_dim3A_139, %add3A_142, %add3A_552] : memref<2x64x512xf32, #tpu.memory_space<vmem>>[vector<16xi32>, vector<16xi32>, vector<16xi32>], vector<16xf32>,
          %gather3A_554 = tpu.vector_load_idx %arg12[%broadcast_in_dim3A_139, %add3A_145, %add3A_552] : memref<2x64x512xf32, #tpu.memory_space<vmem>>[vector<16xi32>, vector<16xi32>, vector<16xi32>], vector<16xf32>,
          %mul3A_555 = vector.broadcast %squeeze3A_549 : f32 to vector<16xf32>
          %mul3A_556 = arith.mulf %mul3A_555, %gather3A_553 : vector<16xf32>
          %add3A_557 = arith.addf %add3A_544, %mul3A_556 : vector<16xf32>
          %mul3A_558 = vector.broadcast %squeeze3A_549 : f32 to vector<16xf32>
          %mul3A_559 = arith.mulf %mul3A_558, %gather3A_554 : vector<16xf32>
          %add3A_560 = arith.addf %add3A_547, %mul3A_559 : vector<16xf32>
          %slice3A_561 = vector.extract_strided_slice %get3A_185 {offsets = [13], sizes = [1], strides = [1]} : vector<16xf32> to vector<1xf32>
          %squeeze3A_562 = vector.extract %slice3A_561[0] : f32 from vector<1xf32>
          %add3A_563 = arith.constant 29 : i32
          %add3A_564 = vector.broadcast %add3A_563 : i32 to vector<16xi32>
          %add3A_565 = arith.addi %broadcast_in_dim3A_186, %add3A_564 : vector<16xi32>
          %gather3A_566 = tpu.vector_load_idx %arg12[%broadcast_in_dim3A_139, %add3A_142, %add3A_565] : memref<2x64x512xf32, #tpu.memory_space<vmem>>[vector<16xi32>, vector<16xi32>, vector<16xi32>], vector<16xf32>,
          %gather3A_567 = tpu.vector_load_idx %arg12[%broadcast_in_dim3A_139, %add3A_145, %add3A_565] : memref<2x64x512xf32, #tpu.memory_space<vmem>>[vector<16xi32>, vector<16xi32>, vector<16xi32>], vector<16xf32>,
          %mul3A_568 = vector.broadcast %squeeze3A_562 : f32 to vector<16xf32>
          %mul3A_569 = arith.mulf %mul3A_568, %gather3A_566 : vector<16xf32>
          %add3A_570 = arith.addf %add3A_557, %mul3A_569 : vector<16xf32>
          %mul3A_571 = vector.broadcast %squeeze3A_562 : f32 to vector<16xf32>
          %mul3A_572 = arith.mulf %mul3A_571, %gather3A_567 : vector<16xf32>
          %add3A_573 = arith.addf %add3A_560, %mul3A_572 : vector<16xf32>
          %slice3A_574 = vector.extract_strided_slice %get3A_185 {offsets = [14], sizes = [1], strides = [1]} : vector<16xf32> to vector<1xf32>
          %squeeze3A_575 = vector.extract %slice3A_574[0] : f32 from vector<1xf32>
          %add3A_576 = arith.constant 30 : i32
          %add3A_577 = vector.broadcast %add3A_576 : i32 to vector<16xi32>
          %add3A_578 = arith.addi %broadcast_in_dim3A_186, %add3A_577 : vector<16xi32>
          %gather3A_579 = tpu.vector_load_idx %arg12[%broadcast_in_dim3A_139, %add3A_142, %add3A_578] : memref<2x64x512xf32, #tpu.memory_space<vmem>>[vector<16xi32>, vector<16xi32>, vector<16xi32>], vector<16xf32>,
          %gather3A_580 = tpu.vector_load_idx %arg12[%broadcast_in_dim3A_139, %add3A_145, %add3A_578] : memref<2x64x512xf32, #tpu.memory_space<vmem>>[vector<16xi32>, vector<16xi32>, vector<16xi32>], vector<16xf32>,
          %mul3A_581 = vector.broadcast %squeeze3A_575 : f32 to vector<16xf32>
          %mul3A_582 = arith.mulf %mul3A_581, %gather3A_579 : vector<16xf32>
          %add3A_583 = arith.addf %add3A_570, %mul3A_582 : vector<16xf32>
          %mul3A_584 = vector.broadcast %squeeze3A_575 : f32 to vector<16xf32>
          %mul3A_585 = arith.mulf %mul3A_584, %gather3A_580 : vector<16xf32>
          %add3A_586 = arith.addf %add3A_573, %mul3A_585 : vector<16xf32>
          %slice3A_587 = vector.extract_strided_slice %get3A_185 {offsets = [15], sizes = [1], strides = [1]} : vector<16xf32> to vector<1xf32>
          %squeeze3A_588 = vector.extract %slice3A_587[0] : f32 from vector<1xf32>
          %add3A_589 = arith.constant 31 : i32
          %add3A_590 = vector.broadcast %add3A_589 : i32 to vector<16xi32>
          %add3A_591 = arith.addi %broadcast_in_dim3A_186, %add3A_590 : vector<16xi32>
          %gather3A_592 = tpu.vector_load_idx %arg12[%broadcast_in_dim3A_139, %add3A_142, %add3A_591] : memref<2x64x512xf32, #tpu.memory_space<vmem>>[vector<16xi32>, vector<16xi32>, vector<16xi32>], vector<16xf32>,
          %gather3A_593 = tpu.vector_load_idx %arg12[%broadcast_in_dim3A_139, %add3A_145, %add3A_591] : memref<2x64x512xf32, #tpu.memory_space<vmem>>[vector<16xi32>, vector<16xi32>, vector<16xi32>], vector<16xf32>,
          %mul3A_594 = vector.broadcast %squeeze3A_588 : f32 to vector<16xf32>
          %mul3A_595 = arith.mulf %mul3A_594, %gather3A_592 : vector<16xf32>
          %add3A_596 = arith.addf %add3A_583, %mul3A_595 : vector<16xf32>
          %mul3A_597 = vector.broadcast %squeeze3A_588 : f32 to vector<16xf32>
          %mul3A_598 = arith.mulf %mul3A_597, %gather3A_593 : vector<16xf32>
          %add3A_599 = arith.addf %add3A_586, %mul3A_598 : vector<16xf32>
          %broadcast_in_dim3A_600 = vector.broadcast %scan3A_172 : i32 to vector<16xi32>
          %gather3A_601 = tpu.vector_load_idx %arg9[%broadcast_in_dim3A, %broadcast_in_dim3A_140, %iota3A, %broadcast_in_dim3A_600] : memref<2x16x32x8xf32, #tpu.memory_space<vmem>>[vector<16xi32>, vector<16xi32>, vector<16xi32>, vector<16xi32>], vector<16xf32>,
          %add3A_602 = arith.constant 16 : i32
          %add3A_603 = vector.broadcast %add3A_602 : i32 to vector<16xi32>
          %add3A_604 = arith.addi %iota3A, %add3A_603 : vector<16xi32>
          %gather3A_605 = tpu.vector_load_idx %arg9[%broadcast_in_dim3A, %broadcast_in_dim3A_140, %add3A_604, %broadcast_in_dim3A_600] : memref<2x16x32x8xf32, #tpu.memory_space<vmem>>[vector<16xi32>, vector<16xi32>, vector<16xi32>, vector<16xi32>], vector<16xf32>,
          %add3A_606 = arith.addf %gather3A_601, %add3A_596 : vector<16xf32>
          %mul3A_607 = arith.mulf %add3A_606, %get3A_147 : vector<16xf32>
          %add3A_608 = arith.addf %mul3A_607, %mul3A_155 : vector<16xf32>
          %add3A_609 = arith.addf %gather3A_605, %add3A_599 : vector<16xf32>
          %mul3A_610 = arith.mulf %add3A_609, %get3A_150 : vector<16xf32>
          %add3A_611 = arith.addf %mul3A_610, %mul3A_161 : vector<16xf32>
          %reduce_max3A = arith.constant true
          %reduce_max3A_612 = vector.broadcast %reduce_max3A : i1 to vector<16xi1>
          %reduce_max3A_613 = tpu.scan <max>, %add3A_608 masked %reduce_max3A_612 : vector<16xf32>, vector<16xi1> -> vector<16xf32>
          %reduce_max3A_614 = vector.extract %reduce_max3A_613[15] : f32 from vector<16xf32>
          %reduce_max3A_615 = arith.constant true
          %reduce_max3A_616 = vector.broadcast %reduce_max3A_615 : i1 to vector<16xi1>
          %reduce_max3A_617 = tpu.scan <max>, %add3A_611 masked %reduce_max3A_616 : vector<16xf32>, vector<16xi1> -> vector<16xf32>
          %reduce_max3A_618 = vector.extract %reduce_max3A_617[15] : f32 from vector<16xf32>
          %max3A = arith.maximumf %reduce_max3A_614, %reduce_max3A_618 : f32
          %sub3A_619 = vector.broadcast %max3A : f32 to vector<16xf32>
          %sub3A_620 = arith.subf %add3A_608, %sub3A_619 : vector<16xf32>
          %exp3A = math.exp %sub3A_620 : vector<16xf32>
          %sub3A_621 = vector.broadcast %max3A : f32 to vector<16xf32>
          %sub3A_622 = arith.subf %add3A_611, %sub3A_621 : vector<16xf32>
          %exp3A_623 = math.exp %sub3A_622 : vector<16xf32>
          %reduce_sum3A = arith.constant true
          %reduce_sum3A_624 = vector.broadcast %reduce_sum3A : i1 to vector<16xi1>
          %reduce_sum3A_625 = tpu.scan <sum>, %exp3A masked %reduce_sum3A_624 : vector<16xf32>, vector<16xi1> -> vector<16xf32>
          %reduce_sum3A_626 = vector.extract %reduce_sum3A_625[15] : f32 from vector<16xf32>
          %reduce_sum3A_627 = arith.constant true
          %reduce_sum3A_628 = vector.broadcast %reduce_sum3A_627 : i1 to vector<16xi1>
          %reduce_sum3A_629 = tpu.scan <sum>, %exp3A_623 masked %reduce_sum3A_628 : vector<16xf32>, vector<16xi1> -> vector<16xf32>
          %reduce_sum3A_630 = vector.extract %reduce_sum3A_629[15] : f32 from vector<16xf32>
          %add3A_631 = arith.addf %reduce_sum3A_626, %reduce_sum3A_630 : f32
          %broadcast_in_dim3A_632 = vector.broadcast %add3A_631 : f32 to vector<16xf32>
          %broadcast_in_dim3A_633 = arith.constant 1.000000e+00 : f32
          %broadcast_in_dim3A_634 = vector.broadcast %broadcast_in_dim3A_633 : f32 to vector<16xf32>
          %div3A_635 = arith.divf %broadcast_in_dim3A_634, %broadcast_in_dim3A_632 : vector<16xf32>
          %mul3A_636 = arith.mulf %exp3A, %div3A_635 : vector<16xf32>
          %mul3A_637 = arith.mulf %exp3A_623, %div3A_635 : vector<16xf32>
          %slice3A_638 = vector.extract_strided_slice %mul3A_636 {offsets = [0], sizes = [1], strides = [1]} : vector<16xf32> to vector<1xf32>
          %squeeze3A_639 = vector.extract %slice3A_638[0] : f32 from vector<1xf32>
          %add3A_640 = arith.constant 0 : i32
          %add3A_641 = arith.addi %mul3A_138, %add3A_640 : i32
          %add3A_642 = arith.constant 256 : i32
          %add3A_643 = arith.addi %add3A_642, %mul3A_175 : i32
          %get3A_644 = arith.index_cast %rem3A_91 : i32 to index
          %get3A_645 = arith.index_cast %add3A_641 : i32 to index
          %get3A_646 = arith.index_cast %add3A_643 : i32 to index
          %get3A_647 = tpu.vector_load %arg12[%get3A_644, %get3A_645, %get3A_646] {strides = array<i32>} : memref<2x64x512xf32, #tpu.memory_space<vmem>>, vector<16xf32>,
          %add3A_648 = arith.constant 0 : i32
          %add3A_649 = arith.addi %mul3A_138, %add3A_648 : i32
          %add3A_650 = arith.constant 256 : i32
          %add3A_651 = arith.addi %add3A_650, %mul3A_175 : i32
          %add3A_652 = arith.constant 16 : i32
          %add3A_653 = arith.addi %add3A_651, %add3A_652 : i32
          %get3A_654 = arith.index_cast %rem3A_91 : i32 to index
          %get3A_655 = arith.index_cast %add3A_649 : i32 to index
          %get3A_656 = arith.index_cast %add3A_653 : i32 to index
          %get3A_657 = tpu.vector_load %arg12[%get3A_654, %get3A_655, %get3A_656] {strides = array<i32>} : memref<2x64x512xf32, #tpu.memory_space<vmem>>, vector<16xf32>,
          %mul3A_658 = vector.broadcast %squeeze3A_639 : f32 to vector<16xf32>
          %mul3A_659 = arith.mulf %mul3A_658, %get3A_647 : vector<16xf32>
          %add3A_660 = arith.addf %broadcast_in_dim3A_163, %mul3A_659 : vector<16xf32>
          %mul3A_661 = vector.broadcast %squeeze3A_639 : f32 to vector<16xf32>
          %mul3A_662 = arith.mulf %mul3A_661, %get3A_657 : vector<16xf32>
          %add3A_663 = arith.addf %broadcast_in_dim3A_163, %mul3A_662 : vector<16xf32>
          %slice3A_664 = vector.extract_strided_slice %mul3A_636 {offsets = [1], sizes = [1], strides = [1]} : vector<16xf32> to vector<1xf32>
          %squeeze3A_665 = vector.extract %slice3A_664[0] : f32 from vector<1xf32>
          %add3A_666 = arith.constant 1 : i32
          %add3A_667 = arith.addi %mul3A_138, %add3A_666 : i32
          %add3A_668 = arith.constant 256 : i32
          %add3A_669 = arith.addi %add3A_668, %mul3A_175 : i32
          %get3A_670 = arith.index_cast %rem3A_91 : i32 to index
          %get3A_671 = arith.index_cast %add3A_667 : i32 to index
          %get3A_672 = arith.index_cast %add3A_669 : i32 to index
          %get3A_673 = tpu.vector_load %arg12[%get3A_670, %get3A_671, %get3A_672] {strides = array<i32>} : memref<2x64x512xf32, #tpu.memory_space<vmem>>, vector<16xf32>,
          %add3A_674 = arith.constant 1 : i32
          %add3A_675 = arith.addi %mul3A_138, %add3A_674 : i32
          %add3A_676 = arith.constant 256 : i32
          %add3A_677 = arith.addi %add3A_676, %mul3A_175 : i32
          %add3A_678 = arith.constant 16 : i32
          %add3A_679 = arith.addi %add3A_677, %add3A_678 : i32
          %get3A_680 = arith.index_cast %rem3A_91 : i32 to index
          %get3A_681 = arith.index_cast %add3A_675 : i32 to index
          %get3A_682 = arith.index_cast %add3A_679 : i32 to index
          %get3A_683 = tpu.vector_load %arg12[%get3A_680, %get3A_681, %get3A_682] {strides = array<i32>} : memref<2x64x512xf32, #tpu.memory_space<vmem>>, vector<16xf32>,
          %mul3A_684 = vector.broadcast %squeeze3A_665 : f32 to vector<16xf32>
          %mul3A_685 = arith.mulf %mul3A_684, %get3A_673 : vector<16xf32>
          %add3A_686 = arith.addf %add3A_660, %mul3A_685 : vector<16xf32>
          %mul3A_687 = vector.broadcast %squeeze3A_665 : f32 to vector<16xf32>
          %mul3A_688 = arith.mulf %mul3A_687, %get3A_683 : vector<16xf32>
          %add3A_689 = arith.addf %add3A_663, %mul3A_688 : vector<16xf32>
          %slice3A_690 = vector.extract_strided_slice %mul3A_636 {offsets = [2], sizes = [1], strides = [1]} : vector<16xf32> to vector<1xf32>
          %squeeze3A_691 = vector.extract %slice3A_690[0] : f32 from vector<1xf32>
          %add3A_692 = arith.constant 2 : i32
          %add3A_693 = arith.addi %mul3A_138, %add3A_692 : i32
          %add3A_694 = arith.constant 256 : i32
          %add3A_695 = arith.addi %add3A_694, %mul3A_175 : i32
          %get3A_696 = arith.index_cast %rem3A_91 : i32 to index
          %get3A_697 = arith.index_cast %add3A_693 : i32 to index
          %get3A_698 = arith.index_cast %add3A_695 : i32 to index
          %get3A_699 = tpu.vector_load %arg12[%get3A_696, %get3A_697, %get3A_698] {strides = array<i32>} : memref<2x64x512xf32, #tpu.memory_space<vmem>>, vector<16xf32>,
          %add3A_700 = arith.constant 2 : i32
          %add3A_701 = arith.addi %mul3A_138, %add3A_700 : i32
          %add3A_702 = arith.constant 256 : i32
          %add3A_703 = arith.addi %add3A_702, %mul3A_175 : i32
          %add3A_704 = arith.constant 16 : i32
          %add3A_705 = arith.addi %add3A_703, %add3A_704 : i32
          %get3A_706 = arith.index_cast %rem3A_91 : i32 to index
          %get3A_707 = arith.index_cast %add3A_701 : i32 to index
          %get3A_708 = arith.index_cast %add3A_705 : i32 to index
          %get3A_709 = tpu.vector_load %arg12[%get3A_706, %get3A_707, %get3A_708] {strides = array<i32>} : memref<2x64x512xf32, #tpu.memory_space<vmem>>, vector<16xf32>,
          %mul3A_710 = vector.broadcast %squeeze3A_691 : f32 to vector<16xf32>
          %mul3A_711 = arith.mulf %mul3A_710, %get3A_699 : vector<16xf32>
          %add3A_712 = arith.addf %add3A_686, %mul3A_711 : vector<16xf32>
          %mul3A_713 = vector.broadcast %squeeze3A_691 : f32 to vector<16xf32>
          %mul3A_714 = arith.mulf %mul3A_713, %get3A_709 : vector<16xf32>
          %add3A_715 = arith.addf %add3A_689, %mul3A_714 : vector<16xf32>
          %slice3A_716 = vector.extract_strided_slice %mul3A_636 {offsets = [3], sizes = [1], strides = [1]} : vector<16xf32> to vector<1xf32>
          %squeeze3A_717 = vector.extract %slice3A_716[0] : f32 from vector<1xf32>
          %add3A_718 = arith.constant 3 : i32
          %add3A_719 = arith.addi %mul3A_138, %add3A_718 : i32
          %add3A_720 = arith.constant 256 : i32
          %add3A_721 = arith.addi %add3A_720, %mul3A_175 : i32
          %get3A_722 = arith.index_cast %rem3A_91 : i32 to index
          %get3A_723 = arith.index_cast %add3A_719 : i32 to index
          %get3A_724 = arith.index_cast %add3A_721 : i32 to index
          %get3A_725 = tpu.vector_load %arg12[%get3A_722, %get3A_723, %get3A_724] {strides = array<i32>} : memref<2x64x512xf32, #tpu.memory_space<vmem>>, vector<16xf32>,
          %add3A_726 = arith.constant 3 : i32
          %add3A_727 = arith.addi %mul3A_138, %add3A_726 : i32
          %add3A_728 = arith.constant 256 : i32
          %add3A_729 = arith.addi %add3A_728, %mul3A_175 : i32
          %add3A_730 = arith.constant 16 : i32
          %add3A_731 = arith.addi %add3A_729, %add3A_730 : i32
          %get3A_732 = arith.index_cast %rem3A_91 : i32 to index
          %get3A_733 = arith.index_cast %add3A_727 : i32 to index
          %get3A_734 = arith.index_cast %add3A_731 : i32 to index
          %get3A_735 = tpu.vector_load %arg12[%get3A_732, %get3A_733, %get3A_734] {strides = array<i32>} : memref<2x64x512xf32, #tpu.memory_space<vmem>>, vector<16xf32>,
          %mul3A_736 = vector.broadcast %squeeze3A_717 : f32 to vector<16xf32>
          %mul3A_737 = arith.mulf %mul3A_736, %get3A_725 : vector<16xf32>
          %add3A_738 = arith.addf %add3A_712, %mul3A_737 : vector<16xf32>
          %mul3A_739 = vector.broadcast %squeeze3A_717 : f32 to vector<16xf32>
          %mul3A_740 = arith.mulf %mul3A_739, %get3A_735 : vector<16xf32>
          %add3A_741 = arith.addf %add3A_715, %mul3A_740 : vector<16xf32>
          %slice3A_742 = vector.extract_strided_slice %mul3A_636 {offsets = [4], sizes = [1], strides = [1]} : vector<16xf32> to vector<1xf32>
          %squeeze3A_743 = vector.extract %slice3A_742[0] : f32 from vector<1xf32>
          %add3A_744 = arith.constant 4 : i32
          %add3A_745 = arith.addi %mul3A_138, %add3A_744 : i32
          %add3A_746 = arith.constant 256 : i32
          %add3A_747 = arith.addi %add3A_746, %mul3A_175 : i32
          %get3A_748 = arith.index_cast %rem3A_91 : i32 to index
          %get3A_749 = arith.index_cast %add3A_745 : i32 to index
          %get3A_750 = arith.index_cast %add3A_747 : i32 to index
          %get3A_751 = tpu.vector_load %arg12[%get3A_748, %get3A_749, %get3A_750] {strides = array<i32>} : memref<2x64x512xf32, #tpu.memory_space<vmem>>, vector<16xf32>,
          %add3A_752 = arith.constant 4 : i32
          %add3A_753 = arith.addi %mul3A_138, %add3A_752 : i32
          %add3A_754 = arith.constant 256 : i32
          %add3A_755 = arith.addi %add3A_754, %mul3A_175 : i32
          %add3A_756 = arith.constant 16 : i32
          %add3A_757 = arith.addi %add3A_755, %add3A_756 : i32
          %get3A_758 = arith.index_cast %rem3A_91 : i32 to index
          %get3A_759 = arith.index_cast %add3A_753 : i32 to index
          %get3A_760 = arith.index_cast %add3A_757 : i32 to index
          %get3A_761 = tpu.vector_load %arg12[%get3A_758, %get3A_759, %get3A_760] {strides = array<i32>} : memref<2x64x512xf32, #tpu.memory_space<vmem>>, vector<16xf32>,
          %mul3A_762 = vector.broadcast %squeeze3A_743 : f32 to vector<16xf32>
          %mul3A_763 = arith.mulf %mul3A_762, %get3A_751 : vector<16xf32>
          %add3A_764 = arith.addf %add3A_738, %mul3A_763 : vector<16xf32>
          %mul3A_765 = vector.broadcast %squeeze3A_743 : f32 to vector<16xf32>
          %mul3A_766 = arith.mulf %mul3A_765, %get3A_761 : vector<16xf32>
          %add3A_767 = arith.addf %add3A_741, %mul3A_766 : vector<16xf32>
          %slice3A_768 = vector.extract_strided_slice %mul3A_636 {offsets = [5], sizes = [1], strides = [1]} : vector<16xf32> to vector<1xf32>
          %squeeze3A_769 = vector.extract %slice3A_768[0] : f32 from vector<1xf32>
          %add3A_770 = arith.constant 5 : i32
          %add3A_771 = arith.addi %mul3A_138, %add3A_770 : i32
          %add3A_772 = arith.constant 256 : i32
          %add3A_773 = arith.addi %add3A_772, %mul3A_175 : i32
          %get3A_774 = arith.index_cast %rem3A_91 : i32 to index
          %get3A_775 = arith.index_cast %add3A_771 : i32 to index
          %get3A_776 = arith.index_cast %add3A_773 : i32 to index
          %get3A_777 = tpu.vector_load %arg12[%get3A_774, %get3A_775, %get3A_776] {strides = array<i32>} : memref<2x64x512xf32, #tpu.memory_space<vmem>>, vector<16xf32>,
          %add3A_778 = arith.constant 5 : i32
          %add3A_779 = arith.addi %mul3A_138, %add3A_778 : i32
          %add3A_780 = arith.constant 256 : i32
          %add3A_781 = arith.addi %add3A_780, %mul3A_175 : i32
          %add3A_782 = arith.constant 16 : i32
          %add3A_783 = arith.addi %add3A_781, %add3A_782 : i32
          %get3A_784 = arith.index_cast %rem3A_91 : i32 to index
          %get3A_785 = arith.index_cast %add3A_779 : i32 to index
          %get3A_786 = arith.index_cast %add3A_783 : i32 to index
          %get3A_787 = tpu.vector_load %arg12[%get3A_784, %get3A_785, %get3A_786] {strides = array<i32>} : memref<2x64x512xf32, #tpu.memory_space<vmem>>, vector<16xf32>,
          %mul3A_788 = vector.broadcast %squeeze3A_769 : f32 to vector<16xf32>
          %mul3A_789 = arith.mulf %mul3A_788, %get3A_777 : vector<16xf32>
          %add3A_790 = arith.addf %add3A_764, %mul3A_789 : vector<16xf32>
          %mul3A_791 = vector.broadcast %squeeze3A_769 : f32 to vector<16xf32>
          %mul3A_792 = arith.mulf %mul3A_791, %get3A_787 : vector<16xf32>
          %add3A_793 = arith.addf %add3A_767, %mul3A_792 : vector<16xf32>
          %slice3A_794 = vector.extract_strided_slice %mul3A_636 {offsets = [6], sizes = [1], strides = [1]} : vector<16xf32> to vector<1xf32>
          %squeeze3A_795 = vector.extract %slice3A_794[0] : f32 from vector<1xf32>
          %add3A_796 = arith.constant 6 : i32
          %add3A_797 = arith.addi %mul3A_138, %add3A_796 : i32
          %add3A_798 = arith.constant 256 : i32
          %add3A_799 = arith.addi %add3A_798, %mul3A_175 : i32
          %get3A_800 = arith.index_cast %rem3A_91 : i32 to index
          %get3A_801 = arith.index_cast %add3A_797 : i32 to index
          %get3A_802 = arith.index_cast %add3A_799 : i32 to index
          %get3A_803 = tpu.vector_load %arg12[%get3A_800, %get3A_801, %get3A_802] {strides = array<i32>} : memref<2x64x512xf32, #tpu.memory_space<vmem>>, vector<16xf32>,
          %add3A_804 = arith.constant 6 : i32
          %add3A_805 = arith.addi %mul3A_138, %add3A_804 : i32
          %add3A_806 = arith.constant 256 : i32
          %add3A_807 = arith.addi %add3A_806, %mul3A_175 : i32
          %add3A_808 = arith.constant 16 : i32
          %add3A_809 = arith.addi %add3A_807, %add3A_808 : i32
          %get3A_810 = arith.index_cast %rem3A_91 : i32 to index
          %get3A_811 = arith.index_cast %add3A_805 : i32 to index
          %get3A_812 = arith.index_cast %add3A_809 : i32 to index
          %get3A_813 = tpu.vector_load %arg12[%get3A_810, %get3A_811, %get3A_812] {strides = array<i32>} : memref<2x64x512xf32, #tpu.memory_space<vmem>>, vector<16xf32>,
          %mul3A_814 = vector.broadcast %squeeze3A_795 : f32 to vector<16xf32>
          %mul3A_815 = arith.mulf %mul3A_814, %get3A_803 : vector<16xf32>
          %add3A_816 = arith.addf %add3A_790, %mul3A_815 : vector<16xf32>
          %mul3A_817 = vector.broadcast %squeeze3A_795 : f32 to vector<16xf32>
          %mul3A_818 = arith.mulf %mul3A_817, %get3A_813 : vector<16xf32>
          %add3A_819 = arith.addf %add3A_793, %mul3A_818 : vector<16xf32>
          %slice3A_820 = vector.extract_strided_slice %mul3A_636 {offsets = [7], sizes = [1], strides = [1]} : vector<16xf32> to vector<1xf32>
          %squeeze3A_821 = vector.extract %slice3A_820[0] : f32 from vector<1xf32>
          %add3A_822 = arith.constant 7 : i32
          %add3A_823 = arith.addi %mul3A_138, %add3A_822 : i32
          %add3A_824 = arith.constant 256 : i32
          %add3A_825 = arith.addi %add3A_824, %mul3A_175 : i32
          %get3A_826 = arith.index_cast %rem3A_91 : i32 to index
          %get3A_827 = arith.index_cast %add3A_823 : i32 to index
          %get3A_828 = arith.index_cast %add3A_825 : i32 to index
          %get3A_829 = tpu.vector_load %arg12[%get3A_826, %get3A_827, %get3A_828] {strides = array<i32>} : memref<2x64x512xf32, #tpu.memory_space<vmem>>, vector<16xf32>,
          %add3A_830 = arith.constant 7 : i32
          %add3A_831 = arith.addi %mul3A_138, %add3A_830 : i32
          %add3A_832 = arith.constant 256 : i32
          %add3A_833 = arith.addi %add3A_832, %mul3A_175 : i32
          %add3A_834 = arith.constant 16 : i32
          %add3A_835 = arith.addi %add3A_833, %add3A_834 : i32
          %get3A_836 = arith.index_cast %rem3A_91 : i32 to index
          %get3A_837 = arith.index_cast %add3A_831 : i32 to index
          %get3A_838 = arith.index_cast %add3A_835 : i32 to index
          %get3A_839 = tpu.vector_load %arg12[%get3A_836, %get3A_837, %get3A_838] {strides = array<i32>} : memref<2x64x512xf32, #tpu.memory_space<vmem>>, vector<16xf32>,
          %mul3A_840 = vector.broadcast %squeeze3A_821 : f32 to vector<16xf32>
          %mul3A_841 = arith.mulf %mul3A_840, %get3A_829 : vector<16xf32>
          %add3A_842 = arith.addf %add3A_816, %mul3A_841 : vector<16xf32>
          %mul3A_843 = vector.broadcast %squeeze3A_821 : f32 to vector<16xf32>
          %mul3A_844 = arith.mulf %mul3A_843, %get3A_839 : vector<16xf32>
          %add3A_845 = arith.addf %add3A_819, %mul3A_844 : vector<16xf32>
          %slice3A_846 = vector.extract_strided_slice %mul3A_636 {offsets = [8], sizes = [1], strides = [1]} : vector<16xf32> to vector<1xf32>
          %squeeze3A_847 = vector.extract %slice3A_846[0] : f32 from vector<1xf32>
          %add3A_848 = arith.constant 8 : i32
          %add3A_849 = arith.addi %mul3A_138, %add3A_848 : i32
          %add3A_850 = arith.constant 256 : i32
          %add3A_851 = arith.addi %add3A_850, %mul3A_175 : i32
          %get3A_852 = arith.index_cast %rem3A_91 : i32 to index
          %get3A_853 = arith.index_cast %add3A_849 : i32 to index
          %get3A_854 = arith.index_cast %add3A_851 : i32 to index
          %get3A_855 = tpu.vector_load %arg12[%get3A_852, %get3A_853, %get3A_854] {strides = array<i32>} : memref<2x64x512xf32, #tpu.memory_space<vmem>>, vector<16xf32>,
          %add3A_856 = arith.constant 8 : i32
          %add3A_857 = arith.addi %mul3A_138, %add3A_856 : i32
          %add3A_858 = arith.constant 256 : i32
          %add3A_859 = arith.addi %add3A_858, %mul3A_175 : i32
          %add3A_860 = arith.constant 16 : i32
          %add3A_861 = arith.addi %add3A_859, %add3A_860 : i32
          %get3A_862 = arith.index_cast %rem3A_91 : i32 to index
          %get3A_863 = arith.index_cast %add3A_857 : i32 to index
          %get3A_864 = arith.index_cast %add3A_861 : i32 to index
          %get3A_865 = tpu.vector_load %arg12[%get3A_862, %get3A_863, %get3A_864] {strides = array<i32>} : memref<2x64x512xf32, #tpu.memory_space<vmem>>, vector<16xf32>,
          %mul3A_866 = vector.broadcast %squeeze3A_847 : f32 to vector<16xf32>
          %mul3A_867 = arith.mulf %mul3A_866, %get3A_855 : vector<16xf32>
          %add3A_868 = arith.addf %add3A_842, %mul3A_867 : vector<16xf32>
          %mul3A_869 = vector.broadcast %squeeze3A_847 : f32 to vector<16xf32>
          %mul3A_870 = arith.mulf %mul3A_869, %get3A_865 : vector<16xf32>
          %add3A_871 = arith.addf %add3A_845, %mul3A_870 : vector<16xf32>
          %slice3A_872 = vector.extract_strided_slice %mul3A_636 {offsets = [9], sizes = [1], strides = [1]} : vector<16xf32> to vector<1xf32>
          %squeeze3A_873 = vector.extract %slice3A_872[0] : f32 from vector<1xf32>
          %add3A_874 = arith.constant 9 : i32
          %add3A_875 = arith.addi %mul3A_138, %add3A_874 : i32
          %add3A_876 = arith.constant 256 : i32
          %add3A_877 = arith.addi %add3A_876, %mul3A_175 : i32
          %get3A_878 = arith.index_cast %rem3A_91 : i32 to index
          %get3A_879 = arith.index_cast %add3A_875 : i32 to index
          %get3A_880 = arith.index_cast %add3A_877 : i32 to index
          %get3A_881 = tpu.vector_load %arg12[%get3A_878, %get3A_879, %get3A_880] {strides = array<i32>} : memref<2x64x512xf32, #tpu.memory_space<vmem>>, vector<16xf32>,
          %add3A_882 = arith.constant 9 : i32
          %add3A_883 = arith.addi %mul3A_138, %add3A_882 : i32
          %add3A_884 = arith.constant 256 : i32
          %add3A_885 = arith.addi %add3A_884, %mul3A_175 : i32
          %add3A_886 = arith.constant 16 : i32
          %add3A_887 = arith.addi %add3A_885, %add3A_886 : i32
          %get3A_888 = arith.index_cast %rem3A_91 : i32 to index
          %get3A_889 = arith.index_cast %add3A_883 : i32 to index
          %get3A_890 = arith.index_cast %add3A_887 : i32 to index
          %get3A_891 = tpu.vector_load %arg12[%get3A_888, %get3A_889, %get3A_890] {strides = array<i32>} : memref<2x64x512xf32, #tpu.memory_space<vmem>>, vector<16xf32>,
          %mul3A_892 = vector.broadcast %squeeze3A_873 : f32 to vector<16xf32>
          %mul3A_893 = arith.mulf %mul3A_892, %get3A_881 : vector<16xf32>
          %add3A_894 = arith.addf %add3A_868, %mul3A_893 : vector<16xf32>
          %mul3A_895 = vector.broadcast %squeeze3A_873 : f32 to vector<16xf32>
          %mul3A_896 = arith.mulf %mul3A_895, %get3A_891 : vector<16xf32>
          %add3A_897 = arith.addf %add3A_871, %mul3A_896 : vector<16xf32>
          %slice3A_898 = vector.extract_strided_slice %mul3A_636 {offsets = [10], sizes = [1], strides = [1]} : vector<16xf32> to vector<1xf32>
          %squeeze3A_899 = vector.extract %slice3A_898[0] : f32 from vector<1xf32>
          %add3A_900 = arith.constant 10 : i32
          %add3A_901 = arith.addi %mul3A_138, %add3A_900 : i32
          %add3A_902 = arith.constant 256 : i32
          %add3A_903 = arith.addi %add3A_902, %mul3A_175 : i32
          %get3A_904 = arith.index_cast %rem3A_91 : i32 to index
          %get3A_905 = arith.index_cast %add3A_901 : i32 to index
          %get3A_906 = arith.index_cast %add3A_903 : i32 to index
          %get3A_907 = tpu.vector_load %arg12[%get3A_904, %get3A_905, %get3A_906] {strides = array<i32>} : memref<2x64x512xf32, #tpu.memory_space<vmem>>, vector<16xf32>,
          %add3A_908 = arith.constant 10 : i32
          %add3A_909 = arith.addi %mul3A_138, %add3A_908 : i32
          %add3A_910 = arith.constant 256 : i32
          %add3A_911 = arith.addi %add3A_910, %mul3A_175 : i32
          %add3A_912 = arith.constant 16 : i32
          %add3A_913 = arith.addi %add3A_911, %add3A_912 : i32
          %get3A_914 = arith.index_cast %rem3A_91 : i32 to index
          %get3A_915 = arith.index_cast %add3A_909 : i32 to index
          %get3A_916 = arith.index_cast %add3A_913 : i32 to index
          %get3A_917 = tpu.vector_load %arg12[%get3A_914, %get3A_915, %get3A_916] {strides = array<i32>} : memref<2x64x512xf32, #tpu.memory_space<vmem>>, vector<16xf32>,
          %mul3A_918 = vector.broadcast %squeeze3A_899 : f32 to vector<16xf32>
          %mul3A_919 = arith.mulf %mul3A_918, %get3A_907 : vector<16xf32>
          %add3A_920 = arith.addf %add3A_894, %mul3A_919 : vector<16xf32>
          %mul3A_921 = vector.broadcast %squeeze3A_899 : f32 to vector<16xf32>
          %mul3A_922 = arith.mulf %mul3A_921, %get3A_917 : vector<16xf32>
          %add3A_923 = arith.addf %add3A_897, %mul3A_922 : vector<16xf32>
          %slice3A_924 = vector.extract_strided_slice %mul3A_636 {offsets = [11], sizes = [1], strides = [1]} : vector<16xf32> to vector<1xf32>
          %squeeze3A_925 = vector.extract %slice3A_924[0] : f32 from vector<1xf32>
          %add3A_926 = arith.constant 11 : i32
          %add3A_927 = arith.addi %mul3A_138, %add3A_926 : i32
          %add3A_928 = arith.constant 256 : i32
          %add3A_929 = arith.addi %add3A_928, %mul3A_175 : i32
          %get3A_930 = arith.index_cast %rem3A_91 : i32 to index
          %get3A_931 = arith.index_cast %add3A_927 : i32 to index
          %get3A_932 = arith.index_cast %add3A_929 : i32 to index
          %get3A_933 = tpu.vector_load %arg12[%get3A_930, %get3A_931, %get3A_932] {strides = array<i32>} : memref<2x64x512xf32, #tpu.memory_space<vmem>>, vector<16xf32>,
          %add3A_934 = arith.constant 11 : i32
          %add3A_935 = arith.addi %mul3A_138, %add3A_934 : i32
          %add3A_936 = arith.constant 256 : i32
          %add3A_937 = arith.addi %add3A_936, %mul3A_175 : i32
          %add3A_938 = arith.constant 16 : i32
          %add3A_939 = arith.addi %add3A_937, %add3A_938 : i32
          %get3A_940 = arith.index_cast %rem3A_91 : i32 to index
          %get3A_941 = arith.index_cast %add3A_935 : i32 to index
          %get3A_942 = arith.index_cast %add3A_939 : i32 to index
          %get3A_943 = tpu.vector_load %arg12[%get3A_940, %get3A_941, %get3A_942] {strides = array<i32>} : memref<2x64x512xf32, #tpu.memory_space<vmem>>, vector<16xf32>,
          %mul3A_944 = vector.broadcast %squeeze3A_925 : f32 to vector<16xf32>
          %mul3A_945 = arith.mulf %mul3A_944, %get3A_933 : vector<16xf32>
          %add3A_946 = arith.addf %add3A_920, %mul3A_945 : vector<16xf32>
          %mul3A_947 = vector.broadcast %squeeze3A_925 : f32 to vector<16xf32>
          %mul3A_948 = arith.mulf %mul3A_947, %get3A_943 : vector<16xf32>
          %add3A_949 = arith.addf %add3A_923, %mul3A_948 : vector<16xf32>
          %slice3A_950 = vector.extract_strided_slice %mul3A_636 {offsets = [12], sizes = [1], strides = [1]} : vector<16xf32> to vector<1xf32>
          %squeeze3A_951 = vector.extract %slice3A_950[0] : f32 from vector<1xf32>
          %add3A_952 = arith.constant 12 : i32
          %add3A_953 = arith.addi %mul3A_138, %add3A_952 : i32
          %add3A_954 = arith.constant 256 : i32
          %add3A_955 = arith.addi %add3A_954, %mul3A_175 : i32
          %get3A_956 = arith.index_cast %rem3A_91 : i32 to index
          %get3A_957 = arith.index_cast %add3A_953 : i32 to index
          %get3A_958 = arith.index_cast %add3A_955 : i32 to index
          %get3A_959 = tpu.vector_load %arg12[%get3A_956, %get3A_957, %get3A_958] {strides = array<i32>} : memref<2x64x512xf32, #tpu.memory_space<vmem>>, vector<16xf32>,
          %add3A_960 = arith.constant 12 : i32
          %add3A_961 = arith.addi %mul3A_138, %add3A_960 : i32
          %add3A_962 = arith.constant 256 : i32
          %add3A_963 = arith.addi %add3A_962, %mul3A_175 : i32
          %add3A_964 = arith.constant 16 : i32
          %add3A_965 = arith.addi %add3A_963, %add3A_964 : i32
          %get3A_966 = arith.index_cast %rem3A_91 : i32 to index
          %get3A_967 = arith.index_cast %add3A_961 : i32 to index
          %get3A_968 = arith.index_cast %add3A_965 : i32 to index
          %get3A_969 = tpu.vector_load %arg12[%get3A_966, %get3A_967, %get3A_968] {strides = array<i32>} : memref<2x64x512xf32, #tpu.memory_space<vmem>>, vector<16xf32>,
          %mul3A_970 = vector.broadcast %squeeze3A_951 : f32 to vector<16xf32>
          %mul3A_971 = arith.mulf %mul3A_970, %get3A_959 : vector<16xf32>
          %add3A_972 = arith.addf %add3A_946, %mul3A_971 : vector<16xf32>
          %mul3A_973 = vector.broadcast %squeeze3A_951 : f32 to vector<16xf32>
          %mul3A_974 = arith.mulf %mul3A_973, %get3A_969 : vector<16xf32>
          %add3A_975 = arith.addf %add3A_949, %mul3A_974 : vector<16xf32>
          %slice3A_976 = vector.extract_strided_slice %mul3A_636 {offsets = [13], sizes = [1], strides = [1]} : vector<16xf32> to vector<1xf32>
          %squeeze3A_977 = vector.extract %slice3A_976[0] : f32 from vector<1xf32>
          %add3A_978 = arith.constant 13 : i32
          %add3A_979 = arith.addi %mul3A_138, %add3A_978 : i32
          %add3A_980 = arith.constant 256 : i32
          %add3A_981 = arith.addi %add3A_980, %mul3A_175 : i32
          %get3A_982 = arith.index_cast %rem3A_91 : i32 to index
          %get3A_983 = arith.index_cast %add3A_979 : i32 to index
          %get3A_984 = arith.index_cast %add3A_981 : i32 to index
          %get3A_985 = tpu.vector_load %arg12[%get3A_982, %get3A_983, %get3A_984] {strides = array<i32>} : memref<2x64x512xf32, #tpu.memory_space<vmem>>, vector<16xf32>,
          %add3A_986 = arith.constant 13 : i32
          %add3A_987 = arith.addi %mul3A_138, %add3A_986 : i32
          %add3A_988 = arith.constant 256 : i32
          %add3A_989 = arith.addi %add3A_988, %mul3A_175 : i32
          %add3A_990 = arith.constant 16 : i32
          %add3A_991 = arith.addi %add3A_989, %add3A_990 : i32
          %get3A_992 = arith.index_cast %rem3A_91 : i32 to index
          %get3A_993 = arith.index_cast %add3A_987 : i32 to index
          %get3A_994 = arith.index_cast %add3A_991 : i32 to index
          %get3A_995 = tpu.vector_load %arg12[%get3A_992, %get3A_993, %get3A_994] {strides = array<i32>} : memref<2x64x512xf32, #tpu.memory_space<vmem>>, vector<16xf32>,
          %mul3A_996 = vector.broadcast %squeeze3A_977 : f32 to vector<16xf32>
          %mul3A_997 = arith.mulf %mul3A_996, %get3A_985 : vector<16xf32>
          %add3A_998 = arith.addf %add3A_972, %mul3A_997 : vector<16xf32>
          %mul3A_999 = vector.broadcast %squeeze3A_977 : f32 to vector<16xf32>
          %mul3A_1000 = arith.mulf %mul3A_999, %get3A_995 : vector<16xf32>
          %add3A_1001 = arith.addf %add3A_975, %mul3A_1000 : vector<16xf32>
          %slice3A_1002 = vector.extract_strided_slice %mul3A_636 {offsets = [14], sizes = [1], strides = [1]} : vector<16xf32> to vector<1xf32>
          %squeeze3A_1003 = vector.extract %slice3A_1002[0] : f32 from vector<1xf32>
          %add3A_1004 = arith.constant 14 : i32
          %add3A_1005 = arith.addi %mul3A_138, %add3A_1004 : i32
          %add3A_1006 = arith.constant 256 : i32
          %add3A_1007 = arith.addi %add3A_1006, %mul3A_175 : i32
          %get3A_1008 = arith.index_cast %rem3A_91 : i32 to index
          %get3A_1009 = arith.index_cast %add3A_1005 : i32 to index
          %get3A_1010 = arith.index_cast %add3A_1007 : i32 to index
          %get3A_1011 = tpu.vector_load %arg12[%get3A_1008, %get3A_1009, %get3A_1010] {strides = array<i32>} : memref<2x64x512xf32, #tpu.memory_space<vmem>>, vector<16xf32>,
          %add3A_1012 = arith.constant 14 : i32
          %add3A_1013 = arith.addi %mul3A_138, %add3A_1012 : i32
          %add3A_1014 = arith.constant 256 : i32
          %add3A_1015 = arith.addi %add3A_1014, %mul3A_175 : i32
          %add3A_1016 = arith.constant 16 : i32
          %add3A_1017 = arith.addi %add3A_1015, %add3A_1016 : i32
          %get3A_1018 = arith.index_cast %rem3A_91 : i32 to index
          %get3A_1019 = arith.index_cast %add3A_1013 : i32 to index
          %get3A_1020 = arith.index_cast %add3A_1017 : i32 to index
          %get3A_1021 = tpu.vector_load %arg12[%get3A_1018, %get3A_1019, %get3A_1020] {strides = array<i32>} : memref<2x64x512xf32, #tpu.memory_space<vmem>>, vector<16xf32>,
          %mul3A_1022 = vector.broadcast %squeeze3A_1003 : f32 to vector<16xf32>
          %mul3A_1023 = arith.mulf %mul3A_1022, %get3A_1011 : vector<16xf32>
          %add3A_1024 = arith.addf %add3A_998, %mul3A_1023 : vector<16xf32>
          %mul3A_1025 = vector.broadcast %squeeze3A_1003 : f32 to vector<16xf32>
          %mul3A_1026 = arith.mulf %mul3A_1025, %get3A_1021 : vector<16xf32>
          %add3A_1027 = arith.addf %add3A_1001, %mul3A_1026 : vector<16xf32>
          %slice3A_1028 = vector.extract_strided_slice %mul3A_636 {offsets = [15], sizes = [1], strides = [1]} : vector<16xf32> to vector<1xf32>
          %squeeze3A_1029 = vector.extract %slice3A_1028[0] : f32 from vector<1xf32>
          %add3A_1030 = arith.constant 15 : i32
          %add3A_1031 = arith.addi %mul3A_138, %add3A_1030 : i32
          %add3A_1032 = arith.constant 256 : i32
          %add3A_1033 = arith.addi %add3A_1032, %mul3A_175 : i32
          %get3A_1034 = arith.index_cast %rem3A_91 : i32 to index
          %get3A_1035 = arith.index_cast %add3A_1031 : i32 to index
          %get3A_1036 = arith.index_cast %add3A_1033 : i32 to index
          %get3A_1037 = tpu.vector_load %arg12[%get3A_1034, %get3A_1035, %get3A_1036] {strides = array<i32>} : memref<2x64x512xf32, #tpu.memory_space<vmem>>, vector<16xf32>,
          %add3A_1038 = arith.constant 15 : i32
          %add3A_1039 = arith.addi %mul3A_138, %add3A_1038 : i32
          %add3A_1040 = arith.constant 256 : i32
          %add3A_1041 = arith.addi %add3A_1040, %mul3A_175 : i32
          %add3A_1042 = arith.constant 16 : i32
          %add3A_1043 = arith.addi %add3A_1041, %add3A_1042 : i32
          %get3A_1044 = arith.index_cast %rem3A_91 : i32 to index
          %get3A_1045 = arith.index_cast %add3A_1039 : i32 to index
          %get3A_1046 = arith.index_cast %add3A_1043 : i32 to index
          %get3A_1047 = tpu.vector_load %arg12[%get3A_1044, %get3A_1045, %get3A_1046] {strides = array<i32>} : memref<2x64x512xf32, #tpu.memory_space<vmem>>, vector<16xf32>,
          %mul3A_1048 = vector.broadcast %squeeze3A_1029 : f32 to vector<16xf32>
          %mul3A_1049 = arith.mulf %mul3A_1048, %get3A_1037 : vector<16xf32>
          %add3A_1050 = arith.addf %add3A_1024, %mul3A_1049 : vector<16xf32>
          %mul3A_1051 = vector.broadcast %squeeze3A_1029 : f32 to vector<16xf32>
          %mul3A_1052 = arith.mulf %mul3A_1051, %get3A_1047 : vector<16xf32>
          %add3A_1053 = arith.addf %add3A_1027, %mul3A_1052 : vector<16xf32>
          %slice3A_1054 = vector.extract_strided_slice %mul3A_637 {offsets = [0], sizes = [1], strides = [1]} : vector<16xf32> to vector<1xf32>
          %squeeze3A_1055 = vector.extract %slice3A_1054[0] : f32 from vector<1xf32>
          %add3A_1056 = arith.constant 16 : i32
          %add3A_1057 = arith.addi %mul3A_138, %add3A_1056 : i32
          %add3A_1058 = arith.constant 256 : i32
          %add3A_1059 = arith.addi %add3A_1058, %mul3A_175 : i32
          %get3A_1060 = arith.index_cast %rem3A_91 : i32 to index
          %get3A_1061 = arith.index_cast %add3A_1057 : i32 to index
          %get3A_1062 = arith.index_cast %add3A_1059 : i32 to index
          %get3A_1063 = tpu.vector_load %arg12[%get3A_1060, %get3A_1061, %get3A_1062] {strides = array<i32>} : memref<2x64x512xf32, #tpu.memory_space<vmem>>, vector<16xf32>,
          %add3A_1064 = arith.constant 16 : i32
          %add3A_1065 = arith.addi %mul3A_138, %add3A_1064 : i32
          %add3A_1066 = arith.constant 256 : i32
          %add3A_1067 = arith.addi %add3A_1066, %mul3A_175 : i32
          %add3A_1068 = arith.constant 16 : i32
          %add3A_1069 = arith.addi %add3A_1067, %add3A_1068 : i32
          %get3A_1070 = arith.index_cast %rem3A_91 : i32 to index
          %get3A_1071 = arith.index_cast %add3A_1065 : i32 to index
          %get3A_1072 = arith.index_cast %add3A_1069 : i32 to index
          %get3A_1073 = tpu.vector_load %arg12[%get3A_1070, %get3A_1071, %get3A_1072] {strides = array<i32>} : memref<2x64x512xf32, #tpu.memory_space<vmem>>, vector<16xf32>,
          %mul3A_1074 = vector.broadcast %squeeze3A_1055 : f32 to vector<16xf32>
          %mul3A_1075 = arith.mulf %mul3A_1074, %get3A_1063 : vector<16xf32>
          %add3A_1076 = arith.addf %add3A_1050, %mul3A_1075 : vector<16xf32>
          %mul3A_1077 = vector.broadcast %squeeze3A_1055 : f32 to vector<16xf32>
          %mul3A_1078 = arith.mulf %mul3A_1077, %get3A_1073 : vector<16xf32>
          %add3A_1079 = arith.addf %add3A_1053, %mul3A_1078 : vector<16xf32>
          %slice3A_1080 = vector.extract_strided_slice %mul3A_637 {offsets = [1], sizes = [1], strides = [1]} : vector<16xf32> to vector<1xf32>
          %squeeze3A_1081 = vector.extract %slice3A_1080[0] : f32 from vector<1xf32>
          %add3A_1082 = arith.constant 17 : i32
          %add3A_1083 = arith.addi %mul3A_138, %add3A_1082 : i32
          %add3A_1084 = arith.constant 256 : i32
          %add3A_1085 = arith.addi %add3A_1084, %mul3A_175 : i32
          %get3A_1086 = arith.index_cast %rem3A_91 : i32 to index
          %get3A_1087 = arith.index_cast %add3A_1083 : i32 to index
          %get3A_1088 = arith.index_cast %add3A_1085 : i32 to index
          %get3A_1089 = tpu.vector_load %arg12[%get3A_1086, %get3A_1087, %get3A_1088] {strides = array<i32>} : memref<2x64x512xf32, #tpu.memory_space<vmem>>, vector<16xf32>,
          %add3A_1090 = arith.constant 17 : i32
          %add3A_1091 = arith.addi %mul3A_138, %add3A_1090 : i32
          %add3A_1092 = arith.constant 256 : i32
          %add3A_1093 = arith.addi %add3A_1092, %mul3A_175 : i32
          %add3A_1094 = arith.constant 16 : i32
          %add3A_1095 = arith.addi %add3A_1093, %add3A_1094 : i32
          %get3A_1096 = arith.index_cast %rem3A_91 : i32 to index
          %get3A_1097 = arith.index_cast %add3A_1091 : i32 to index
          %get3A_1098 = arith.index_cast %add3A_1095 : i32 to index
          %get3A_1099 = tpu.vector_load %arg12[%get3A_1096, %get3A_1097, %get3A_1098] {strides = array<i32>} : memref<2x64x512xf32, #tpu.memory_space<vmem>>, vector<16xf32>,
          %mul3A_1100 = vector.broadcast %squeeze3A_1081 : f32 to vector<16xf32>
          %mul3A_1101 = arith.mulf %mul3A_1100, %get3A_1089 : vector<16xf32>
          %add3A_1102 = arith.addf %add3A_1076, %mul3A_1101 : vector<16xf32>
          %mul3A_1103 = vector.broadcast %squeeze3A_1081 : f32 to vector<16xf32>
          %mul3A_1104 = arith.mulf %mul3A_1103, %get3A_1099 : vector<16xf32>
          %add3A_1105 = arith.addf %add3A_1079, %mul3A_1104 : vector<16xf32>
          %slice3A_1106 = vector.extract_strided_slice %mul3A_637 {offsets = [2], sizes = [1], strides = [1]} : vector<16xf32> to vector<1xf32>
          %squeeze3A_1107 = vector.extract %slice3A_1106[0] : f32 from vector<1xf32>
          %add3A_1108 = arith.constant 18 : i32
          %add3A_1109 = arith.addi %mul3A_138, %add3A_1108 : i32
          %add3A_1110 = arith.constant 256 : i32
          %add3A_1111 = arith.addi %add3A_1110, %mul3A_175 : i32
          %get3A_1112 = arith.index_cast %rem3A_91 : i32 to index
          %get3A_1113 = arith.index_cast %add3A_1109 : i32 to index
          %get3A_1114 = arith.index_cast %add3A_1111 : i32 to index
          %get3A_1115 = tpu.vector_load %arg12[%get3A_1112, %get3A_1113, %get3A_1114] {strides = array<i32>} : memref<2x64x512xf32, #tpu.memory_space<vmem>>, vector<16xf32>,
          %add3A_1116 = arith.constant 18 : i32
          %add3A_1117 = arith.addi %mul3A_138, %add3A_1116 : i32
          %add3A_1118 = arith.constant 256 : i32
          %add3A_1119 = arith.addi %add3A_1118, %mul3A_175 : i32
          %add3A_1120 = arith.constant 16 : i32
          %add3A_1121 = arith.addi %add3A_1119, %add3A_1120 : i32
          %get3A_1122 = arith.index_cast %rem3A_91 : i32 to index
          %get3A_1123 = arith.index_cast %add3A_1117 : i32 to index
          %get3A_1124 = arith.index_cast %add3A_1121 : i32 to index
          %get3A_1125 = tpu.vector_load %arg12[%get3A_1122, %get3A_1123, %get3A_1124] {strides = array<i32>} : memref<2x64x512xf32, #tpu.memory_space<vmem>>, vector<16xf32>,
          %mul3A_1126 = vector.broadcast %squeeze3A_1107 : f32 to vector<16xf32>
          %mul3A_1127 = arith.mulf %mul3A_1126, %get3A_1115 : vector<16xf32>
          %add3A_1128 = arith.addf %add3A_1102, %mul3A_1127 : vector<16xf32>
          %mul3A_1129 = vector.broadcast %squeeze3A_1107 : f32 to vector<16xf32>
          %mul3A_1130 = arith.mulf %mul3A_1129, %get3A_1125 : vector<16xf32>
          %add3A_1131 = arith.addf %add3A_1105, %mul3A_1130 : vector<16xf32>
          %slice3A_1132 = vector.extract_strided_slice %mul3A_637 {offsets = [3], sizes = [1], strides = [1]} : vector<16xf32> to vector<1xf32>
          %squeeze3A_1133 = vector.extract %slice3A_1132[0] : f32 from vector<1xf32>
          %add3A_1134 = arith.constant 19 : i32
          %add3A_1135 = arith.addi %mul3A_138, %add3A_1134 : i32
          %add3A_1136 = arith.constant 256 : i32
          %add3A_1137 = arith.addi %add3A_1136, %mul3A_175 : i32
          %get3A_1138 = arith.index_cast %rem3A_91 : i32 to index
          %get3A_1139 = arith.index_cast %add3A_1135 : i32 to index
          %get3A_1140 = arith.index_cast %add3A_1137 : i32 to index
          %get3A_1141 = tpu.vector_load %arg12[%get3A_1138, %get3A_1139, %get3A_1140] {strides = array<i32>} : memref<2x64x512xf32, #tpu.memory_space<vmem>>, vector<16xf32>,
          %add3A_1142 = arith.constant 19 : i32
          %add3A_1143 = arith.addi %mul3A_138, %add3A_1142 : i32
          %add3A_1144 = arith.constant 256 : i32
          %add3A_1145 = arith.addi %add3A_1144, %mul3A_175 : i32
          %add3A_1146 = arith.constant 16 : i32
          %add3A_1147 = arith.addi %add3A_1145, %add3A_1146 : i32
          %get3A_1148 = arith.index_cast %rem3A_91 : i32 to index
          %get3A_1149 = arith.index_cast %add3A_1143 : i32 to index
          %get3A_1150 = arith.index_cast %add3A_1147 : i32 to index
          %get3A_1151 = tpu.vector_load %arg12[%get3A_1148, %get3A_1149, %get3A_1150] {strides = array<i32>} : memref<2x64x512xf32, #tpu.memory_space<vmem>>, vector<16xf32>,
          %mul3A_1152 = vector.broadcast %squeeze3A_1133 : f32 to vector<16xf32>
          %mul3A_1153 = arith.mulf %mul3A_1152, %get3A_1141 : vector<16xf32>
          %add3A_1154 = arith.addf %add3A_1128, %mul3A_1153 : vector<16xf32>
          %mul3A_1155 = vector.broadcast %squeeze3A_1133 : f32 to vector<16xf32>
          %mul3A_1156 = arith.mulf %mul3A_1155, %get3A_1151 : vector<16xf32>
          %add3A_1157 = arith.addf %add3A_1131, %mul3A_1156 : vector<16xf32>
          %slice3A_1158 = vector.extract_strided_slice %mul3A_637 {offsets = [4], sizes = [1], strides = [1]} : vector<16xf32> to vector<1xf32>
          %squeeze3A_1159 = vector.extract %slice3A_1158[0] : f32 from vector<1xf32>
          %add3A_1160 = arith.constant 20 : i32
          %add3A_1161 = arith.addi %mul3A_138, %add3A_1160 : i32
          %add3A_1162 = arith.constant 256 : i32
          %add3A_1163 = arith.addi %add3A_1162, %mul3A_175 : i32
          %get3A_1164 = arith.index_cast %rem3A_91 : i32 to index
          %get3A_1165 = arith.index_cast %add3A_1161 : i32 to index
          %get3A_1166 = arith.index_cast %add3A_1163 : i32 to index
          %get3A_1167 = tpu.vector_load %arg12[%get3A_1164, %get3A_1165, %get3A_1166] {strides = array<i32>} : memref<2x64x512xf32, #tpu.memory_space<vmem>>, vector<16xf32>,
          %add3A_1168 = arith.constant 20 : i32
          %add3A_1169 = arith.addi %mul3A_138, %add3A_1168 : i32
          %add3A_1170 = arith.constant 256 : i32
          %add3A_1171 = arith.addi %add3A_1170, %mul3A_175 : i32
          %add3A_1172 = arith.constant 16 : i32
          %add3A_1173 = arith.addi %add3A_1171, %add3A_1172 : i32
          %get3A_1174 = arith.index_cast %rem3A_91 : i32 to index
          %get3A_1175 = arith.index_cast %add3A_1169 : i32 to index
          %get3A_1176 = arith.index_cast %add3A_1173 : i32 to index
          %get3A_1177 = tpu.vector_load %arg12[%get3A_1174, %get3A_1175, %get3A_1176] {strides = array<i32>} : memref<2x64x512xf32, #tpu.memory_space<vmem>>, vector<16xf32>,
          %mul3A_1178 = vector.broadcast %squeeze3A_1159 : f32 to vector<16xf32>
          %mul3A_1179 = arith.mulf %mul3A_1178, %get3A_1167 : vector<16xf32>
          %add3A_1180 = arith.addf %add3A_1154, %mul3A_1179 : vector<16xf32>
          %mul3A_1181 = vector.broadcast %squeeze3A_1159 : f32 to vector<16xf32>
          %mul3A_1182 = arith.mulf %mul3A_1181, %get3A_1177 : vector<16xf32>
          %add3A_1183 = arith.addf %add3A_1157, %mul3A_1182 : vector<16xf32>
          %slice3A_1184 = vector.extract_strided_slice %mul3A_637 {offsets = [5], sizes = [1], strides = [1]} : vector<16xf32> to vector<1xf32>
          %squeeze3A_1185 = vector.extract %slice3A_1184[0] : f32 from vector<1xf32>
          %add3A_1186 = arith.constant 21 : i32
          %add3A_1187 = arith.addi %mul3A_138, %add3A_1186 : i32
          %add3A_1188 = arith.constant 256 : i32
          %add3A_1189 = arith.addi %add3A_1188, %mul3A_175 : i32
          %get3A_1190 = arith.index_cast %rem3A_91 : i32 to index
          %get3A_1191 = arith.index_cast %add3A_1187 : i32 to index
          %get3A_1192 = arith.index_cast %add3A_1189 : i32 to index
          %get3A_1193 = tpu.vector_load %arg12[%get3A_1190, %get3A_1191, %get3A_1192] {strides = array<i32>} : memref<2x64x512xf32, #tpu.memory_space<vmem>>, vector<16xf32>,
          %add3A_1194 = arith.constant 21 : i32
          %add3A_1195 = arith.addi %mul3A_138, %add3A_1194 : i32
          %add3A_1196 = arith.constant 256 : i32
          %add3A_1197 = arith.addi %add3A_1196, %mul3A_175 : i32
          %add3A_1198 = arith.constant 16 : i32
          %add3A_1199 = arith.addi %add3A_1197, %add3A_1198 : i32
          %get3A_1200 = arith.index_cast %rem3A_91 : i32 to index
          %get3A_1201 = arith.index_cast %add3A_1195 : i32 to index
          %get3A_1202 = arith.index_cast %add3A_1199 : i32 to index
          %get3A_1203 = tpu.vector_load %arg12[%get3A_1200, %get3A_1201, %get3A_1202] {strides = array<i32>} : memref<2x64x512xf32, #tpu.memory_space<vmem>>, vector<16xf32>,
          %mul3A_1204 = vector.broadcast %squeeze3A_1185 : f32 to vector<16xf32>
          %mul3A_1205 = arith.mulf %mul3A_1204, %get3A_1193 : vector<16xf32>
          %add3A_1206 = arith.addf %add3A_1180, %mul3A_1205 : vector<16xf32>
          %mul3A_1207 = vector.broadcast %squeeze3A_1185 : f32 to vector<16xf32>
          %mul3A_1208 = arith.mulf %mul3A_1207, %get3A_1203 : vector<16xf32>
          %add3A_1209 = arith.addf %add3A_1183, %mul3A_1208 : vector<16xf32>
          %slice3A_1210 = vector.extract_strided_slice %mul3A_637 {offsets = [6], sizes = [1], strides = [1]} : vector<16xf32> to vector<1xf32>
          %squeeze3A_1211 = vector.extract %slice3A_1210[0] : f32 from vector<1xf32>
          %add3A_1212 = arith.constant 22 : i32
          %add3A_1213 = arith.addi %mul3A_138, %add3A_1212 : i32
          %add3A_1214 = arith.constant 256 : i32
          %add3A_1215 = arith.addi %add3A_1214, %mul3A_175 : i32
          %get3A_1216 = arith.index_cast %rem3A_91 : i32 to index
          %get3A_1217 = arith.index_cast %add3A_1213 : i32 to index
          %get3A_1218 = arith.index_cast %add3A_1215 : i32 to index
          %get3A_1219 = tpu.vector_load %arg12[%get3A_1216, %get3A_1217, %get3A_1218] {strides = array<i32>} : memref<2x64x512xf32, #tpu.memory_space<vmem>>, vector<16xf32>,
          %add3A_1220 = arith.constant 22 : i32
          %add3A_1221 = arith.addi %mul3A_138, %add3A_1220 : i32
          %add3A_1222 = arith.constant 256 : i32
          %add3A_1223 = arith.addi %add3A_1222, %mul3A_175 : i32
          %add3A_1224 = arith.constant 16 : i32
          %add3A_1225 = arith.addi %add3A_1223, %add3A_1224 : i32
          %get3A_1226 = arith.index_cast %rem3A_91 : i32 to index
          %get3A_1227 = arith.index_cast %add3A_1221 : i32 to index
          %get3A_1228 = arith.index_cast %add3A_1225 : i32 to index
          %get3A_1229 = tpu.vector_load %arg12[%get3A_1226, %get3A_1227, %get3A_1228] {strides = array<i32>} : memref<2x64x512xf32, #tpu.memory_space<vmem>>, vector<16xf32>,
          %mul3A_1230 = vector.broadcast %squeeze3A_1211 : f32 to vector<16xf32>
          %mul3A_1231 = arith.mulf %mul3A_1230, %get3A_1219 : vector<16xf32>
          %add3A_1232 = arith.addf %add3A_1206, %mul3A_1231 : vector<16xf32>
          %mul3A_1233 = vector.broadcast %squeeze3A_1211 : f32 to vector<16xf32>
          %mul3A_1234 = arith.mulf %mul3A_1233, %get3A_1229 : vector<16xf32>
          %add3A_1235 = arith.addf %add3A_1209, %mul3A_1234 : vector<16xf32>
          %slice3A_1236 = vector.extract_strided_slice %mul3A_637 {offsets = [7], sizes = [1], strides = [1]} : vector<16xf32> to vector<1xf32>
          %squeeze3A_1237 = vector.extract %slice3A_1236[0] : f32 from vector<1xf32>
          %add3A_1238 = arith.constant 23 : i32
          %add3A_1239 = arith.addi %mul3A_138, %add3A_1238 : i32
          %add3A_1240 = arith.constant 256 : i32
          %add3A_1241 = arith.addi %add3A_1240, %mul3A_175 : i32
          %get3A_1242 = arith.index_cast %rem3A_91 : i32 to index
          %get3A_1243 = arith.index_cast %add3A_1239 : i32 to index
          %get3A_1244 = arith.index_cast %add3A_1241 : i32 to index
          %get3A_1245 = tpu.vector_load %arg12[%get3A_1242, %get3A_1243, %get3A_1244] {strides = array<i32>} : memref<2x64x512xf32, #tpu.memory_space<vmem>>, vector<16xf32>,
          %add3A_1246 = arith.constant 23 : i32
          %add3A_1247 = arith.addi %mul3A_138, %add3A_1246 : i32
          %add3A_1248 = arith.constant 256 : i32
          %add3A_1249 = arith.addi %add3A_1248, %mul3A_175 : i32
          %add3A_1250 = arith.constant 16 : i32
          %add3A_1251 = arith.addi %add3A_1249, %add3A_1250 : i32
          %get3A_1252 = arith.index_cast %rem3A_91 : i32 to index
          %get3A_1253 = arith.index_cast %add3A_1247 : i32 to index
          %get3A_1254 = arith.index_cast %add3A_1251 : i32 to index
          %get3A_1255 = tpu.vector_load %arg12[%get3A_1252, %get3A_1253, %get3A_1254] {strides = array<i32>} : memref<2x64x512xf32, #tpu.memory_space<vmem>>, vector<16xf32>,
          %mul3A_1256 = vector.broadcast %squeeze3A_1237 : f32 to vector<16xf32>
          %mul3A_1257 = arith.mulf %mul3A_1256, %get3A_1245 : vector<16xf32>
          %add3A_1258 = arith.addf %add3A_1232, %mul3A_1257 : vector<16xf32>
          %mul3A_1259 = vector.broadcast %squeeze3A_1237 : f32 to vector<16xf32>
          %mul3A_1260 = arith.mulf %mul3A_1259, %get3A_1255 : vector<16xf32>
          %add3A_1261 = arith.addf %add3A_1235, %mul3A_1260 : vector<16xf32>
          %slice3A_1262 = vector.extract_strided_slice %mul3A_637 {offsets = [8], sizes = [1], strides = [1]} : vector<16xf32> to vector<1xf32>
          %squeeze3A_1263 = vector.extract %slice3A_1262[0] : f32 from vector<1xf32>
          %add3A_1264 = arith.constant 24 : i32
          %add3A_1265 = arith.addi %mul3A_138, %add3A_1264 : i32
          %add3A_1266 = arith.constant 256 : i32
          %add3A_1267 = arith.addi %add3A_1266, %mul3A_175 : i32
          %get3A_1268 = arith.index_cast %rem3A_91 : i32 to index
          %get3A_1269 = arith.index_cast %add3A_1265 : i32 to index
          %get3A_1270 = arith.index_cast %add3A_1267 : i32 to index
          %get3A_1271 = tpu.vector_load %arg12[%get3A_1268, %get3A_1269, %get3A_1270] {strides = array<i32>} : memref<2x64x512xf32, #tpu.memory_space<vmem>>, vector<16xf32>,
          %add3A_1272 = arith.constant 24 : i32
          %add3A_1273 = arith.addi %mul3A_138, %add3A_1272 : i32
          %add3A_1274 = arith.constant 256 : i32
          %add3A_1275 = arith.addi %add3A_1274, %mul3A_175 : i32
          %add3A_1276 = arith.constant 16 : i32
          %add3A_1277 = arith.addi %add3A_1275, %add3A_1276 : i32
          %get3A_1278 = arith.index_cast %rem3A_91 : i32 to index
          %get3A_1279 = arith.index_cast %add3A_1273 : i32 to index
          %get3A_1280 = arith.index_cast %add3A_1277 : i32 to index
          %get3A_1281 = tpu.vector_load %arg12[%get3A_1278, %get3A_1279, %get3A_1280] {strides = array<i32>} : memref<2x64x512xf32, #tpu.memory_space<vmem>>, vector<16xf32>,
          %mul3A_1282 = vector.broadcast %squeeze3A_1263 : f32 to vector<16xf32>
          %mul3A_1283 = arith.mulf %mul3A_1282, %get3A_1271 : vector<16xf32>
          %add3A_1284 = arith.addf %add3A_1258, %mul3A_1283 : vector<16xf32>
          %mul3A_1285 = vector.broadcast %squeeze3A_1263 : f32 to vector<16xf32>
          %mul3A_1286 = arith.mulf %mul3A_1285, %get3A_1281 : vector<16xf32>
          %add3A_1287 = arith.addf %add3A_1261, %mul3A_1286 : vector<16xf32>
          %slice3A_1288 = vector.extract_strided_slice %mul3A_637 {offsets = [9], sizes = [1], strides = [1]} : vector<16xf32> to vector<1xf32>
          %squeeze3A_1289 = vector.extract %slice3A_1288[0] : f32 from vector<1xf32>
          %add3A_1290 = arith.constant 25 : i32
          %add3A_1291 = arith.addi %mul3A_138, %add3A_1290 : i32
          %add3A_1292 = arith.constant 256 : i32
          %add3A_1293 = arith.addi %add3A_1292, %mul3A_175 : i32
          %get3A_1294 = arith.index_cast %rem3A_91 : i32 to index
          %get3A_1295 = arith.index_cast %add3A_1291 : i32 to index
          %get3A_1296 = arith.index_cast %add3A_1293 : i32 to index
          %get3A_1297 = tpu.vector_load %arg12[%get3A_1294, %get3A_1295, %get3A_1296] {strides = array<i32>} : memref<2x64x512xf32, #tpu.memory_space<vmem>>, vector<16xf32>,
          %add3A_1298 = arith.constant 25 : i32
          %add3A_1299 = arith.addi %mul3A_138, %add3A_1298 : i32
          %add3A_1300 = arith.constant 256 : i32
          %add3A_1301 = arith.addi %add3A_1300, %mul3A_175 : i32
          %add3A_1302 = arith.constant 16 : i32
          %add3A_1303 = arith.addi %add3A_1301, %add3A_1302 : i32
          %get3A_1304 = arith.index_cast %rem3A_91 : i32 to index
          %get3A_1305 = arith.index_cast %add3A_1299 : i32 to index
          %get3A_1306 = arith.index_cast %add3A_1303 : i32 to index
          %get3A_1307 = tpu.vector_load %arg12[%get3A_1304, %get3A_1305, %get3A_1306] {strides = array<i32>} : memref<2x64x512xf32, #tpu.memory_space<vmem>>, vector<16xf32>,
          %mul3A_1308 = vector.broadcast %squeeze3A_1289 : f32 to vector<16xf32>
          %mul3A_1309 = arith.mulf %mul3A_1308, %get3A_1297 : vector<16xf32>
          %add3A_1310 = arith.addf %add3A_1284, %mul3A_1309 : vector<16xf32>
          %mul3A_1311 = vector.broadcast %squeeze3A_1289 : f32 to vector<16xf32>
          %mul3A_1312 = arith.mulf %mul3A_1311, %get3A_1307 : vector<16xf32>
          %add3A_1313 = arith.addf %add3A_1287, %mul3A_1312 : vector<16xf32>
          %slice3A_1314 = vector.extract_strided_slice %mul3A_637 {offsets = [10], sizes = [1], strides = [1]} : vector<16xf32> to vector<1xf32>
          %squeeze3A_1315 = vector.extract %slice3A_1314[0] : f32 from vector<1xf32>
          %add3A_1316 = arith.constant 26 : i32
          %add3A_1317 = arith.addi %mul3A_138, %add3A_1316 : i32
          %add3A_1318 = arith.constant 256 : i32
          %add3A_1319 = arith.addi %add3A_1318, %mul3A_175 : i32
          %get3A_1320 = arith.index_cast %rem3A_91 : i32 to index
          %get3A_1321 = arith.index_cast %add3A_1317 : i32 to index
          %get3A_1322 = arith.index_cast %add3A_1319 : i32 to index
          %get3A_1323 = tpu.vector_load %arg12[%get3A_1320, %get3A_1321, %get3A_1322] {strides = array<i32>} : memref<2x64x512xf32, #tpu.memory_space<vmem>>, vector<16xf32>,
          %add3A_1324 = arith.constant 26 : i32
          %add3A_1325 = arith.addi %mul3A_138, %add3A_1324 : i32
          %add3A_1326 = arith.constant 256 : i32
          %add3A_1327 = arith.addi %add3A_1326, %mul3A_175 : i32
          %add3A_1328 = arith.constant 16 : i32
          %add3A_1329 = arith.addi %add3A_1327, %add3A_1328 : i32
          %get3A_1330 = arith.index_cast %rem3A_91 : i32 to index
          %get3A_1331 = arith.index_cast %add3A_1325 : i32 to index
          %get3A_1332 = arith.index_cast %add3A_1329 : i32 to index
          %get3A_1333 = tpu.vector_load %arg12[%get3A_1330, %get3A_1331, %get3A_1332] {strides = array<i32>} : memref<2x64x512xf32, #tpu.memory_space<vmem>>, vector<16xf32>,
          %mul3A_1334 = vector.broadcast %squeeze3A_1315 : f32 to vector<16xf32>
          %mul3A_1335 = arith.mulf %mul3A_1334, %get3A_1323 : vector<16xf32>
          %add3A_1336 = arith.addf %add3A_1310, %mul3A_1335 : vector<16xf32>
          %mul3A_1337 = vector.broadcast %squeeze3A_1315 : f32 to vector<16xf32>
          %mul3A_1338 = arith.mulf %mul3A_1337, %get3A_1333 : vector<16xf32>
          %add3A_1339 = arith.addf %add3A_1313, %mul3A_1338 : vector<16xf32>
          %slice3A_1340 = vector.extract_strided_slice %mul3A_637 {offsets = [11], sizes = [1], strides = [1]} : vector<16xf32> to vector<1xf32>
          %squeeze3A_1341 = vector.extract %slice3A_1340[0] : f32 from vector<1xf32>
          %add3A_1342 = arith.constant 27 : i32
          %add3A_1343 = arith.addi %mul3A_138, %add3A_1342 : i32
          %add3A_1344 = arith.constant 256 : i32
          %add3A_1345 = arith.addi %add3A_1344, %mul3A_175 : i32
          %get3A_1346 = arith.index_cast %rem3A_91 : i32 to index
          %get3A_1347 = arith.index_cast %add3A_1343 : i32 to index
          %get3A_1348 = arith.index_cast %add3A_1345 : i32 to index
          %get3A_1349 = tpu.vector_load %arg12[%get3A_1346, %get3A_1347, %get3A_1348] {strides = array<i32>} : memref<2x64x512xf32, #tpu.memory_space<vmem>>, vector<16xf32>,
          %add3A_1350 = arith.constant 27 : i32
          %add3A_1351 = arith.addi %mul3A_138, %add3A_1350 : i32
          %add3A_1352 = arith.constant 256 : i32
          %add3A_1353 = arith.addi %add3A_1352, %mul3A_175 : i32
          %add3A_1354 = arith.constant 16 : i32
          %add3A_1355 = arith.addi %add3A_1353, %add3A_1354 : i32
          %get3A_1356 = arith.index_cast %rem3A_91 : i32 to index
          %get3A_1357 = arith.index_cast %add3A_1351 : i32 to index
          %get3A_1358 = arith.index_cast %add3A_1355 : i32 to index
          %get3A_1359 = tpu.vector_load %arg12[%get3A_1356, %get3A_1357, %get3A_1358] {strides = array<i32>} : memref<2x64x512xf32, #tpu.memory_space<vmem>>, vector<16xf32>,
          %mul3A_1360 = vector.broadcast %squeeze3A_1341 : f32 to vector<16xf32>
          %mul3A_1361 = arith.mulf %mul3A_1360, %get3A_1349 : vector<16xf32>
          %add3A_1362 = arith.addf %add3A_1336, %mul3A_1361 : vector<16xf32>
          %mul3A_1363 = vector.broadcast %squeeze3A_1341 : f32 to vector<16xf32>
          %mul3A_1364 = arith.mulf %mul3A_1363, %get3A_1359 : vector<16xf32>
          %add3A_1365 = arith.addf %add3A_1339, %mul3A_1364 : vector<16xf32>
          %slice3A_1366 = vector.extract_strided_slice %mul3A_637 {offsets = [12], sizes = [1], strides = [1]} : vector<16xf32> to vector<1xf32>
          %squeeze3A_1367 = vector.extract %slice3A_1366[0] : f32 from vector<1xf32>
          %add3A_1368 = arith.constant 28 : i32
          %add3A_1369 = arith.addi %mul3A_138, %add3A_1368 : i32
          %add3A_1370 = arith.constant 256 : i32
          %add3A_1371 = arith.addi %add3A_1370, %mul3A_175 : i32
          %get3A_1372 = arith.index_cast %rem3A_91 : i32 to index
          %get3A_1373 = arith.index_cast %add3A_1369 : i32 to index
          %get3A_1374 = arith.index_cast %add3A_1371 : i32 to index
          %get3A_1375 = tpu.vector_load %arg12[%get3A_1372, %get3A_1373, %get3A_1374] {strides = array<i32>} : memref<2x64x512xf32, #tpu.memory_space<vmem>>, vector<16xf32>,
          %add3A_1376 = arith.constant 28 : i32
          %add3A_1377 = arith.addi %mul3A_138, %add3A_1376 : i32
          %add3A_1378 = arith.constant 256 : i32
          %add3A_1379 = arith.addi %add3A_1378, %mul3A_175 : i32
          %add3A_1380 = arith.constant 16 : i32
          %add3A_1381 = arith.addi %add3A_1379, %add3A_1380 : i32
          %get3A_1382 = arith.index_cast %rem3A_91 : i32 to index
          %get3A_1383 = arith.index_cast %add3A_1377 : i32 to index
          %get3A_1384 = arith.index_cast %add3A_1381 : i32 to index
          %get3A_1385 = tpu.vector_load %arg12[%get3A_1382, %get3A_1383, %get3A_1384] {strides = array<i32>} : memref<2x64x512xf32, #tpu.memory_space<vmem>>, vector<16xf32>,
          %mul3A_1386 = vector.broadcast %squeeze3A_1367 : f32 to vector<16xf32>
          %mul3A_1387 = arith.mulf %mul3A_1386, %get3A_1375 : vector<16xf32>
          %add3A_1388 = arith.addf %add3A_1362, %mul3A_1387 : vector<16xf32>
          %mul3A_1389 = vector.broadcast %squeeze3A_1367 : f32 to vector<16xf32>
          %mul3A_1390 = arith.mulf %mul3A_1389, %get3A_1385 : vector<16xf32>
          %add3A_1391 = arith.addf %add3A_1365, %mul3A_1390 : vector<16xf32>
          %slice3A_1392 = vector.extract_strided_slice %mul3A_637 {offsets = [13], sizes = [1], strides = [1]} : vector<16xf32> to vector<1xf32>
          %squeeze3A_1393 = vector.extract %slice3A_1392[0] : f32 from vector<1xf32>
          %add3A_1394 = arith.constant 29 : i32
          %add3A_1395 = arith.addi %mul3A_138, %add3A_1394 : i32
          %add3A_1396 = arith.constant 256 : i32
          %add3A_1397 = arith.addi %add3A_1396, %mul3A_175 : i32
          %get3A_1398 = arith.index_cast %rem3A_91 : i32 to index
          %get3A_1399 = arith.index_cast %add3A_1395 : i32 to index
          %get3A_1400 = arith.index_cast %add3A_1397 : i32 to index
          %get3A_1401 = tpu.vector_load %arg12[%get3A_1398, %get3A_1399, %get3A_1400] {strides = array<i32>} : memref<2x64x512xf32, #tpu.memory_space<vmem>>, vector<16xf32>,
          %add3A_1402 = arith.constant 29 : i32
          %add3A_1403 = arith.addi %mul3A_138, %add3A_1402 : i32
          %add3A_1404 = arith.constant 256 : i32
          %add3A_1405 = arith.addi %add3A_1404, %mul3A_175 : i32
          %add3A_1406 = arith.constant 16 : i32
          %add3A_1407 = arith.addi %add3A_1405, %add3A_1406 : i32
          %get3A_1408 = arith.index_cast %rem3A_91 : i32 to index
          %get3A_1409 = arith.index_cast %add3A_1403 : i32 to index
          %get3A_1410 = arith.index_cast %add3A_1407 : i32 to index
          %get3A_1411 = tpu.vector_load %arg12[%get3A_1408, %get3A_1409, %get3A_1410] {strides = array<i32>} : memref<2x64x512xf32, #tpu.memory_space<vmem>>, vector<16xf32>,
          %mul3A_1412 = vector.broadcast %squeeze3A_1393 : f32 to vector<16xf32>
          %mul3A_1413 = arith.mulf %mul3A_1412, %get3A_1401 : vector<16xf32>
          %add3A_1414 = arith.addf %add3A_1388, %mul3A_1413 : vector<16xf32>
          %mul3A_1415 = vector.broadcast %squeeze3A_1393 : f32 to vector<16xf32>
          %mul3A_1416 = arith.mulf %mul3A_1415, %get3A_1411 : vector<16xf32>
          %add3A_1417 = arith.addf %add3A_1391, %mul3A_1416 : vector<16xf32>
          %slice3A_1418 = vector.extract_strided_slice %mul3A_637 {offsets = [14], sizes = [1], strides = [1]} : vector<16xf32> to vector<1xf32>
          %squeeze3A_1419 = vector.extract %slice3A_1418[0] : f32 from vector<1xf32>
          %add3A_1420 = arith.constant 30 : i32
          %add3A_1421 = arith.addi %mul3A_138, %add3A_1420 : i32
          %add3A_1422 = arith.constant 256 : i32
          %add3A_1423 = arith.addi %add3A_1422, %mul3A_175 : i32
          %get3A_1424 = arith.index_cast %rem3A_91 : i32 to index
          %get3A_1425 = arith.index_cast %add3A_1421 : i32 to index
          %get3A_1426 = arith.index_cast %add3A_1423 : i32 to index
          %get3A_1427 = tpu.vector_load %arg12[%get3A_1424, %get3A_1425, %get3A_1426] {strides = array<i32>} : memref<2x64x512xf32, #tpu.memory_space<vmem>>, vector<16xf32>,
          %add3A_1428 = arith.constant 30 : i32
          %add3A_1429 = arith.addi %mul3A_138, %add3A_1428 : i32
          %add3A_1430 = arith.constant 256 : i32
          %add3A_1431 = arith.addi %add3A_1430, %mul3A_175 : i32
          %add3A_1432 = arith.constant 16 : i32
          %add3A_1433 = arith.addi %add3A_1431, %add3A_1432 : i32
          %get3A_1434 = arith.index_cast %rem3A_91 : i32 to index
          %get3A_1435 = arith.index_cast %add3A_1429 : i32 to index
          %get3A_1436 = arith.index_cast %add3A_1433 : i32 to index
          %get3A_1437 = tpu.vector_load %arg12[%get3A_1434, %get3A_1435, %get3A_1436] {strides = array<i32>} : memref<2x64x512xf32, #tpu.memory_space<vmem>>, vector<16xf32>,
          %mul3A_1438 = vector.broadcast %squeeze3A_1419 : f32 to vector<16xf32>
          %mul3A_1439 = arith.mulf %mul3A_1438, %get3A_1427 : vector<16xf32>
          %add3A_1440 = arith.addf %add3A_1414, %mul3A_1439 : vector<16xf32>
          %mul3A_1441 = vector.broadcast %squeeze3A_1419 : f32 to vector<16xf32>
          %mul3A_1442 = arith.mulf %mul3A_1441, %get3A_1437 : vector<16xf32>
          %add3A_1443 = arith.addf %add3A_1417, %mul3A_1442 : vector<16xf32>
          %slice3A_1444 = vector.extract_strided_slice %mul3A_637 {offsets = [15], sizes = [1], strides = [1]} : vector<16xf32> to vector<1xf32>
          %squeeze3A_1445 = vector.extract %slice3A_1444[0] : f32 from vector<1xf32>
          %add3A_1446 = arith.constant 31 : i32
          %add3A_1447 = arith.addi %mul3A_138, %add3A_1446 : i32
          %add3A_1448 = arith.constant 256 : i32
          %add3A_1449 = arith.addi %add3A_1448, %mul3A_175 : i32
          %get3A_1450 = arith.index_cast %rem3A_91 : i32 to index
          %get3A_1451 = arith.index_cast %add3A_1447 : i32 to index
          %get3A_1452 = arith.index_cast %add3A_1449 : i32 to index
          %get3A_1453 = tpu.vector_load %arg12[%get3A_1450, %get3A_1451, %get3A_1452] {strides = array<i32>} : memref<2x64x512xf32, #tpu.memory_space<vmem>>, vector<16xf32>,
          %add3A_1454 = arith.constant 31 : i32
          %add3A_1455 = arith.addi %mul3A_138, %add3A_1454 : i32
          %add3A_1456 = arith.constant 256 : i32
          %add3A_1457 = arith.addi %add3A_1456, %mul3A_175 : i32
          %add3A_1458 = arith.constant 16 : i32
          %add3A_1459 = arith.addi %add3A_1457, %add3A_1458 : i32
          %get3A_1460 = arith.index_cast %rem3A_91 : i32 to index
          %get3A_1461 = arith.index_cast %add3A_1455 : i32 to index
          %get3A_1462 = arith.index_cast %add3A_1459 : i32 to index
          %get3A_1463 = tpu.vector_load %arg12[%get3A_1460, %get3A_1461, %get3A_1462] {strides = array<i32>} : memref<2x64x512xf32, #tpu.memory_space<vmem>>, vector<16xf32>,
          %mul3A_1464 = vector.broadcast %squeeze3A_1445 : f32 to vector<16xf32>
          %mul3A_1465 = arith.mulf %mul3A_1464, %get3A_1453 : vector<16xf32>
          %add3A_1466 = arith.addf %add3A_1440, %mul3A_1465 : vector<16xf32>
          %mul3A_1467 = vector.broadcast %squeeze3A_1445 : f32 to vector<16xf32>
          %mul3A_1468 = arith.mulf %mul3A_1467, %get3A_1463 : vector<16xf32>
          %add3A_1469 = arith.addf %add3A_1443, %mul3A_1468 : vector<16xf32>
          %swap3A = arith.index_cast %rem3A_89 : i32 to index
          %swap3A_1470 = arith.index_cast %add3A_133 : i32 to index
          %swap3A_1471 = arith.index_cast %mul3A_175 : i32 to index
          %swap3A_1472 = tpu.vector_load %arg13[%swap3A, %swap3A_1470, %swap3A_1471] {strides = array<i32>} : memref<2x16x256xf32, #tpu.memory_space<vmem>>, vector<16xf32>,
          tpu.vector_store %arg13[%swap3A, %swap3A_1470, %swap3A_1471], %add3A_1466 {strides = array<i32>} : memref<2x16x256xf32, #tpu.memory_space<vmem>>, vector<16xf32>,
          %add3A_1473 = arith.constant 16 : i32
          %add3A_1474 = arith.addi %mul3A_175, %add3A_1473 : i32
          %swap3A_1475 = arith.index_cast %rem3A_89 : i32 to index
          %swap3A_1476 = arith.index_cast %add3A_133 : i32 to index
          %swap3A_1477 = arith.index_cast %add3A_1474 : i32 to index
          %swap3A_1478 = tpu.vector_load %arg13[%swap3A_1475, %swap3A_1476, %swap3A_1477] {strides = array<i32>} : memref<2x16x256xf32, #tpu.memory_space<vmem>>, vector<16xf32>,
          tpu.vector_store %arg13[%swap3A_1475, %swap3A_1476, %swap3A_1477], %add3A_1469 {strides = array<i32>} : memref<2x16x256xf32, #tpu.memory_space<vmem>>, vector<16xf32>,
          %scan3A_1479 = arith.constant 0 : i32
          scf.yield %scan3A_1479 : i32
        }
        %scan3A_170 = arith.constant 8 : i32
        %scan3A_171 = arith.constant 0 : i32
        scf.yield %scan3A_171 : i32
      }
      %scan3A_122 = arith.constant 2 : i32
      %eq3A_123 = arith.constant 7 : i32
      %eq3A_124 = arith.cmpi eq, %rem3A_87, %eq3A_123 : i32
      %convert_element_type3A_125 = arith.extui %eq3A_124 : i1 to i32
      %cond3A_126 = arith.constant 0 : i32
      %cond3A_127 = arith.cmpi ne, %convert_element_type3A_125, %cond3A_126 : i32
      scf.if %cond3A_127 {
        %rem3A_129 = arith.constant 2 : i32
        %rem3A_130 = arith.remsi %div3A_85, %rem3A_129 : i32
        %mul3A_131 = arith.constant 16 : i32
        %mul3A_132 = arith.muli %div3A_85, %mul3A_131 : i32
        %add3A_133 = arith.addi %mul3A_2, %mul3A_132 : i32
        %dma_start3A_134 = arith.constant 0 : i32
        %dma_start3A_135 = arith.constant 0 : i32
        %dma_start3A_136 = tpu.memref_slice %arg13[%rem3A_130, %dma_start3A_134, %dma_start3A_135] : memref<2x16x256xf32, #tpu.memory_space<vmem>> -> memref<1x16x256xf32, #tpu.memory_space<vmem>>
        %dma_start3A_137 = tpu.memref_squeeze %dma_start3A_136 : memref<1x16x256xf32, #tpu.memory_space<vmem>> -> memref<16x256xf32, #tpu.memory_space<vmem>>
        %dma_start3A_138 = arith.constant 0 : i32
        %dma_start3A_139 = tpu.memref_slice %arg7[%add3A_133, %dma_start3A_138] : memref<8192x256xf32, #tpu.memory_space<hbm>> -> memref<16x256xf32, #tpu.memory_space<hbm>>
        %dma_start3A_140 = arith.constant 0 : i32
        %dma_start3A_141 = tpu.memref_slice %arg7[%add3A_133, %dma_start3A_140] : memref<8192x256xf32, #tpu.memory_space<hbm>> -> memref<16x256xf32, #tpu.memory_space<hbm>>
        %dma_start3A_142 = arith.constant 0 : i32
        %dma_start3A_143 = arith.constant 0 : i32
        %dma_start3A_144 = tpu.memref_slice %arg13[%rem3A_130, %dma_start3A_142, %dma_start3A_143] : memref<2x16x256xf32, #tpu.memory_space<vmem>> -> memref<1x16x256xf32, #tpu.memory_space<vmem>>
        %dma_start3A_145 = tpu.memref_squeeze %dma_start3A_144 : memref<1x16x256xf32, #tpu.memory_space<vmem>> -> memref<16x256xf32, #tpu.memory_space<vmem>>
        tpu.enqueue_dma source(%dma_start3A_145 : memref<16x256xf32, #tpu.memory_space<vmem>>) target(%dma_start3A_141 : memref<16x256xf32, #tpu.memory_space<hbm>>) target_semaphore(%arg16 : memref<!tpu.dma_semaphore, #tpu.memory_space<semaphore_mem>>)
      } else {
      }
      %scan3A_128 = arith.constant 0 : i32
      scf.yield %scan3A_128 : i32
    }
    %scan3A_53 = arith.constant 128 : i32
    %dma_wait3A = arith.constant 0 : i32
    %dma_wait3A_54 = arith.constant 0 : i32
    %dma_wait3A_55 = arith.constant 0 : i32
    %dma_wait3A_56 = tpu.memref_slice %arg13[%dma_wait3A, %dma_wait3A_54, %dma_wait3A_55] : memref<2x16x256xf32, #tpu.memory_space<vmem>> -> memref<1x16x256xf32, #tpu.memory_space<vmem>>
    %dma_wait3A_57 = tpu.memref_squeeze %dma_wait3A_56 : memref<1x16x256xf32, #tpu.memory_space<vmem>> -> memref<16x256xf32, #tpu.memory_space<vmem>>
    %dma_wait3A_58 = arith.constant 0 : i32
    %dma_wait3A_59 = arith.constant 0 : i32
    %dma_wait3A_60 = tpu.memref_slice %arg7[%dma_wait3A_58, %dma_wait3A_59] : memref<8192x256xf32, #tpu.memory_space<hbm>> -> memref<16x256xf32, #tpu.memory_space<hbm>>
    %dma_wait3A_61 = arith.constant 0 : i32
    %dma_wait3A_62 = arith.constant 0 : i32
    %dma_wait3A_63 = tpu.memref_slice %arg7[%dma_wait3A_61, %dma_wait3A_62] : memref<8192x256xf32, #tpu.memory_space<hbm>> -> memref<16x256xf32, #tpu.memory_space<hbm>>
    %dma_wait3A_64 = arith.constant 0 : i32
    %dma_wait3A_65 = arith.constant 0 : i32
    %dma_wait3A_66 = tpu.memref_slice %arg13[%dma_wait3A, %dma_wait3A_64, %dma_wait3A_65] : memref<2x16x256xf32, #tpu.memory_space<vmem>> -> memref<1x16x256xf32, #tpu.memory_space<vmem>>
    %dma_wait3A_67 = tpu.memref_squeeze %dma_wait3A_66 : memref<1x16x256xf32, #tpu.memory_space<vmem>> -> memref<16x256xf32, #tpu.memory_space<vmem>>
    tpu.wait_dma2 semaphore(%arg16 : memref<!tpu.dma_semaphore, #tpu.memory_space<semaphore_mem>>) src(%dma_wait3A_67 : memref<16x256xf32, #tpu.memory_space<vmem>>) dst(%dma_wait3A_63 : memref<16x256xf32, #tpu.memory_space<hbm>>)
    %dma_wait3A_68 = arith.constant 0 : i32
    %dma_wait3A_69 = arith.constant 0 : i32
    %dma_wait3A_70 = arith.constant 0 : i32
    %dma_wait3A_71 = tpu.memref_slice %arg13[%dma_wait3A_68, %dma_wait3A_69, %dma_wait3A_70] : memref<2x16x256xf32, #tpu.memory_space<vmem>> -> memref<1x16x256xf32, #tpu.memory_space<vmem>>
    %dma_wait3A_72 = tpu.memref_squeeze %dma_wait3A_71 : memref<1x16x256xf32, #tpu.memory_space<vmem>> -> memref<16x256xf32, #tpu.memory_space<vmem>>
    %dma_wait3A_73 = arith.constant 0 : i32
    %dma_wait3A_74 = arith.constant 0 : i32
    %dma_wait3A_75 = tpu.memref_slice %arg7[%dma_wait3A_73, %dma_wait3A_74] : memref<8192x256xf32, #tpu.memory_space<hbm>> -> memref<16x256xf32, #tpu.memory_space<hbm>>
    %dma_wait3A_76 = arith.constant 0 : i32
    %dma_wait3A_77 = arith.constant 0 : i32
    %dma_wait3A_78 = tpu.memref_slice %arg7[%dma_wait3A_76, %dma_wait3A_77] : memref<8192x256xf32, #tpu.memory_space<hbm>> -> memref<16x256xf32, #tpu.memory_space<hbm>>
    %dma_wait3A_79 = arith.constant 0 : i32
    %dma_wait3A_80 = arith.constant 0 : i32
    %dma_wait3A_81 = tpu.memref_slice %arg13[%dma_wait3A_68, %dma_wait3A_79, %dma_wait3A_80] : memref<2x16x256xf32, #tpu.memory_space<vmem>> -> memref<1x16x256xf32, #tpu.memory_space<vmem>>
    %dma_wait3A_82 = tpu.memref_squeeze %dma_wait3A_81 : memref<1x16x256xf32, #tpu.memory_space<vmem>> -> memref<16x256xf32, #tpu.memory_space<vmem>>
    tpu.wait_dma2 semaphore(%arg16 : memref<!tpu.dma_semaphore, #tpu.memory_space<semaphore_mem>>) src(%dma_wait3A_82 : memref<16x256xf32, #tpu.memory_space<vmem>>) dst(%dma_wait3A_78 : memref<16x256xf32, #tpu.memory_space<hbm>>)
    return
  }
}

module attributes {stable_mosaic.version = 14 : i64} {
  func.func @_pre_body(%arg0: i32, %arg1: memref<256x256xf32, #tpu.memory_space<vmem>>, %arg2: memref<256x32x128xf32, #tpu.memory_space<vmem>>, %arg3: memref<256x32xi32, #tpu.memory_space<vmem>>, %arg4: memref<256x32xi32, #tpu.memory_space<vmem>>, %arg5: memref<256x256xf32, #tpu.memory_space<vmem>>, %arg6: memref<256x256xf32, #tpu.memory_space<vmem>>, %arg7: memref<256x256xf32, #tpu.memory_space<vmem>>, %arg8: memref<128x8xf32, #tpu.memory_space<vmem>>, %arg9: memref<256x256xf32, #tpu.memory_space<vmem>>, %arg10: memref<256x256xf32, #tpu.memory_space<vmem>>, %arg11: memref<256x512xf32, #tpu.memory_space<vmem>>, %arg12: memref<256x256xf32, #tpu.memory_space<vmem>>, %arg13: memref<256x32x8xf32, #tpu.memory_space<vmem>>, %arg14: memref<256x32xf32, #tpu.memory_space<vmem>>, %arg15: memref<256x32xi32, #tpu.memory_space<vmem>>) attributes {dimension_semantics = [#tpu.dimension_semantics<arbitrary>], iteration_bounds = array<i64: 32>, scalar_prefetch = 0 : i64, scratch_operands = 0 : i64, tpu.core_type = #tpu.core_type<tc>, window_params = [{transform_indices = @transform_0, window_bounds = array<i64: 256, 256>}, {transform_indices = @transform_1, window_bounds = array<i64: 256, 32, 128>}, {transform_indices = @transform_2, window_bounds = array<i64: 256, 32>}, {transform_indices = @transform_3, window_bounds = array<i64: 256, 32>}, {pipeline_mode = #tpu.pipeline_mode<synchronous>, transform_indices = @transform_4, window_bounds = array<i64: 256, 256>}, {pipeline_mode = #tpu.pipeline_mode<synchronous>, transform_indices = @transform_5, window_bounds = array<i64: 256, 256>}, {pipeline_mode = #tpu.pipeline_mode<synchronous>, transform_indices = @transform_6, window_bounds = array<i64: 256, 256>}, {pipeline_mode = #tpu.pipeline_mode<synchronous>, transform_indices = @transform_7, window_bounds = array<i64: 128, 8>}, {pipeline_mode = #tpu.pipeline_mode<synchronous>, transform_indices = @transform_8, window_bounds = array<i64: 256, 256>}, {transform_indices = @transform_9, window_bounds = array<i64: 256, 256>}, {transform_indices = @transform_10, window_bounds = array<i64: 256, 512>}, {transform_indices = @transform_11, window_bounds = array<i64: 256, 256>}, {transform_indices = @transform_12, window_bounds = array<i64: 256, 32, 8>}, {transform_indices = @transform_13, window_bounds = array<i64: 256, 32>}, {transform_indices = @transform_14, window_bounds = array<i64: 256, 32>}]} {
    %get3A = arith.constant 0 : index
    %get3A_0 = arith.constant 0 : index
    %get3A_1 = vector.load %arg1[%get3A, %get3A_0] : memref<256x256xf32, #tpu.memory_space<vmem>>, vector<256x256xf32>
    %sqrt3A = arith.constant 3.200000e+01 : f32
    %sqrt3A_2 = math.sqrt %sqrt3A : f32
    %div3A = arith.constant 1.000000e+00 : f32
    %div3A_3 = arith.divf %div3A, %sqrt3A_2 : f32
    %get3A_4 = arith.constant 0 : index
    %get3A_5 = arith.constant 0 : index
    %get3A_6 = vector.load %arg5[%get3A_4, %get3A_5] : memref<256x256xf32, #tpu.memory_space<vmem>>, vector<256x256xf32>
    %dot_general3A = arith.constant dense<0.000000e+00> : vector<256x256xf32>
    %dot_general3A_7 = tpu.matmul %get3A_1, %get3A_6, %dot_general3A {dimension_numbers = #tpu.dot_dimension_numbers<[1], [0], [0], [1], [0, 0, 1, 1], [], []>, transpose_lhs_hint = false} : vector<256x256xf32>, vector<256x256xf32>, vector<256x256xf32> -> vector<256x256xf32>
    %mul3A = vector.broadcast %div3A_3 : f32 to vector<256x256xf32>
    %mul3A_8 = arith.mulf %dot_general3A_7, %mul3A : vector<256x256xf32>
    %swap3A = arith.constant 0 : index
    %swap3A_9 = arith.constant 0 : index
    %swap3A_10 = vector.load %arg10[%swap3A, %swap3A_9] : memref<256x256xf32, #tpu.memory_space<vmem>>, vector<256x256xf32>
    tpu.vector_store %arg10[%swap3A, %swap3A_9], %mul3A_8 {strides = array<i32>} : memref<256x256xf32, #tpu.memory_space<vmem>>, vector<256x256xf32>,
    %get3A_11 = arith.constant 0 : index
    %get3A_12 = arith.constant 0 : index
    %get3A_13 = vector.load %arg6[%get3A_11, %get3A_12] : memref<256x256xf32, #tpu.memory_space<vmem>>, vector<256x256xf32>
    %dot_general3A_14 = arith.constant dense<0.000000e+00> : vector<256x256xf32>
    %dot_general3A_15 = tpu.matmul %get3A_1, %get3A_13, %dot_general3A_14 {dimension_numbers = #tpu.dot_dimension_numbers<[1], [0], [0], [1], [0, 0, 1, 1], [], []>, transpose_lhs_hint = false} : vector<256x256xf32>, vector<256x256xf32>, vector<256x256xf32> -> vector<256x256xf32>
    %swap3A_16 = arith.constant 0 : index
    %swap3A_17 = arith.constant 0 : index
    %swap3A_18 = vector.load %arg11[%swap3A_16, %swap3A_17] : memref<256x512xf32, #tpu.memory_space<vmem>>, vector<256x256xf32>
    tpu.vector_store %arg11[%swap3A_16, %swap3A_17], %dot_general3A_15 {strides = array<i32>} : memref<256x512xf32, #tpu.memory_space<vmem>>, vector<256x256xf32>,
    %get3A_19 = arith.constant 0 : index
    %get3A_20 = arith.constant 0 : index
    %get3A_21 = vector.load %arg7[%get3A_19, %get3A_20] : memref<256x256xf32, #tpu.memory_space<vmem>>, vector<256x256xf32>
    %dot_general3A_22 = arith.constant dense<0.000000e+00> : vector<256x256xf32>
    %dot_general3A_23 = tpu.matmul %get3A_1, %get3A_21, %dot_general3A_22 {dimension_numbers = #tpu.dot_dimension_numbers<[1], [0], [0], [1], [0, 0, 1, 1], [], []>, transpose_lhs_hint = false} : vector<256x256xf32>, vector<256x256xf32>, vector<256x256xf32> -> vector<256x256xf32>
    %swap3A_24 = arith.constant 0 : index
    %swap3A_25 = arith.constant 256 : index
    %swap3A_26 = vector.load %arg11[%swap3A_24, %swap3A_25] : memref<256x512xf32, #tpu.memory_space<vmem>>, vector<256x256xf32>
    tpu.vector_store %arg11[%swap3A_24, %swap3A_25], %dot_general3A_23 {strides = array<i32>} : memref<256x512xf32, #tpu.memory_space<vmem>>, vector<256x256xf32>,
    %get3A_27 = arith.constant 0 : index
    %get3A_28 = arith.constant 0 : index
    %get3A_29 = vector.load %arg9[%get3A_27, %get3A_28] : memref<256x256xf32, #tpu.memory_space<vmem>>, vector<256x256xf32>
    %dot_general3A_30 = arith.constant dense<0.000000e+00> : vector<256x256xf32>
    %dot_general3A_31 = tpu.matmul %get3A_1, %get3A_29, %dot_general3A_30 {dimension_numbers = #tpu.dot_dimension_numbers<[1], [0], [0], [1], [0, 0, 1, 1], [], []>, transpose_lhs_hint = false} : vector<256x256xf32>, vector<256x256xf32>, vector<256x256xf32> -> vector<256x256xf32>
    %logistic3A = arith.negf %dot_general3A_31 : vector<256x256xf32>
    %logistic3A_32 = math.exp %logistic3A : vector<256x256xf32>
    %logistic3A_33 = arith.constant 1.000000e+00 : f32
    %logistic3A_34 = vector.broadcast %logistic3A_33 : f32 to vector<256x256xf32>
    %logistic3A_35 = arith.addf %logistic3A_34, %logistic3A_32 : vector<256x256xf32>
    %logistic3A_36 = arith.divf %logistic3A_34, %logistic3A_35 : vector<256x256xf32>
    %swap3A_37 = arith.constant 0 : index
    %swap3A_38 = arith.constant 0 : index
    %swap3A_39 = vector.load %arg12[%swap3A_37, %swap3A_38] : memref<256x256xf32, #tpu.memory_space<vmem>>, vector<256x256xf32>
    tpu.vector_store %arg12[%swap3A_37, %swap3A_38], %logistic3A_36 {strides = array<i32>} : memref<256x256xf32, #tpu.memory_space<vmem>>, vector<256x256xf32>,
    %get3A_40 = arith.constant 0 : index
    %get3A_41 = arith.constant 0 : index
    %get3A_42 = arith.constant 0 : index
    %get3A_43 = vector.load %arg2[%get3A_40, %get3A_41, %get3A_42] : memref<256x32x128xf32, #tpu.memory_space<vmem>>, vector<256x32x128xf32>
    %reshape3A = vector.shape_cast %get3A_43 : vector<256x32x128xf32> to vector<8192x128xf32>
    %get3A_44 = arith.constant 0 : index
    %get3A_45 = arith.constant 0 : index
    %get3A_46 = vector.load %arg8[%get3A_44, %get3A_45] : memref<128x8xf32, #tpu.memory_space<vmem>>, vector<128x8xf32>
    %dot_general3A_47 = arith.constant dense<0.000000e+00> : vector<8192x8xf32>
    %dot_general3A_48 = tpu.matmul %reshape3A, %get3A_46, %dot_general3A_47 {dimension_numbers = #tpu.dot_dimension_numbers<[1], [0], [0], [1], [0, 0, 1, 1], [], []>, transpose_lhs_hint = false} : vector<8192x128xf32>, vector<128x8xf32>, vector<8192x8xf32> -> vector<8192x8xf32>
    %reshape3A_49 = vector.shape_cast %dot_general3A_48 : vector<8192x8xf32> to vector<256x32x8xf32>
    %get3A_50 = arith.constant 0 : index
    %get3A_51 = arith.constant 0 : index
    %get3A_52 = vector.load %arg3[%get3A_50, %get3A_51] : memref<256x32xi32, #tpu.memory_space<vmem>>, vector<256x32xi32>
    %get3A_53 = arith.constant 0 : index
    %get3A_54 = arith.constant 0 : index
    %get3A_55 = vector.load %arg4[%get3A_53, %get3A_54] : memref<256x32xi32, #tpu.memory_space<vmem>>, vector<256x32xi32>
    %ne3A = arith.constant 0 : i32
    %ne3A_56 = vector.broadcast %ne3A : i32 to vector<256x32xi32>
    %ne3A_57 = arith.cmpi ne, %get3A_55, %ne3A_56 : vector<256x32xi32>
    %ge3A = arith.constant 0 : i32
    %ge3A_58 = vector.broadcast %ge3A : i32 to vector<256x32xi32>
    %ge3A_59 = arith.cmpi sge, %get3A_52, %ge3A_58 : vector<256x32xi32>
    %and3A = arith.andi %ne3A_57, %ge3A_59 : vector<256x32xi1>
    %swap3A_60 = arith.constant 0 : index
    %swap3A_61 = arith.constant 0 : index
    %swap3A_62 = arith.constant 0 : index
    %swap3A_63 = vector.load %arg13[%swap3A_60, %swap3A_61, %swap3A_62] : memref<256x32x8xf32, #tpu.memory_space<vmem>>, vector<256x32x8xf32>
    tpu.vector_store %arg13[%swap3A_60, %swap3A_61, %swap3A_62], %reshape3A_49 {strides = array<i32>} : memref<256x32x8xf32, #tpu.memory_space<vmem>>, vector<256x32x8xf32>,
    %convert_element_type3A = arith.extui %and3A : vector<256x32xi1> to vector<256x32xi32>
    %convert_element_type3A_64 = arith.sitofp %convert_element_type3A : vector<256x32xi32> to vector<256x32xf32>
    %swap3A_65 = arith.constant 0 : index
    %swap3A_66 = arith.constant 0 : index
    %swap3A_67 = vector.load %arg14[%swap3A_65, %swap3A_66] : memref<256x32xf32, #tpu.memory_space<vmem>>, vector<256x32xf32>
    tpu.vector_store %arg14[%swap3A_65, %swap3A_66], %convert_element_type3A_64 {strides = array<i32>} : memref<256x32xf32, #tpu.memory_space<vmem>>, vector<256x32xf32>,
    %jit3A = arith.constant 0 : i32
    %jit3A_68 = arith.constant 8191 : i32
    %max3A = vector.broadcast %jit3A : i32 to vector<256x32xi32>
    %max3A_69 = arith.maxsi %max3A, %get3A_52 : vector<256x32xi32>
    %min3A = vector.broadcast %jit3A_68 : i32 to vector<256x32xi32>
    %min3A_70 = arith.minsi %min3A, %max3A_69 : vector<256x32xi32>
    %swap3A_71 = arith.constant 0 : index
    %swap3A_72 = arith.constant 0 : index
    %swap3A_73 = vector.load %arg15[%swap3A_71, %swap3A_72] : memref<256x32xi32, #tpu.memory_space<vmem>>, vector<256x32xi32>
    tpu.vector_store %arg15[%swap3A_71, %swap3A_72], %min3A_70 {strides = array<i32>} : memref<256x32xi32, #tpu.memory_space<vmem>>, vector<256x32xi32>,
    return
  }
  func.func @transform_0(%arg0: i32) -> (i32, i32) {
    %c0_i32 = arith.constant 0 : i32
    %c0_i32_0 = arith.constant 0 : i32
    return %arg0, %c0_i32 : i32, i32
  }
  func.func @transform_1(%arg0: i32) -> (i32, i32, i32) {
    %c0_i32 = arith.constant 0 : i32
    %c0_i32_0 = arith.constant 0 : i32
    %c0_i32_1 = arith.constant 0 : i32
    return %arg0, %c0_i32, %c0_i32_0 : i32, i32, i32
  }
  func.func @transform_2(%arg0: i32) -> (i32, i32) {
    %c0_i32 = arith.constant 0 : i32
    %c0_i32_0 = arith.constant 0 : i32
    return %arg0, %c0_i32 : i32, i32
  }
  func.func @transform_3(%arg0: i32) -> (i32, i32) {
    %c0_i32 = arith.constant 0 : i32
    %c0_i32_0 = arith.constant 0 : i32
    return %arg0, %c0_i32 : i32, i32
  }
  func.func @transform_4(%arg0: i32) -> (i32, i32) {
    %c0_i32 = arith.constant 0 : i32
    %c0_i32_0 = arith.constant 0 : i32
    %c0_i32_1 = arith.constant 0 : i32
    return %c0_i32, %c0_i32_0 : i32, i32
  }
  func.func @transform_5(%arg0: i32) -> (i32, i32) {
    %c0_i32 = arith.constant 0 : i32
    %c0_i32_0 = arith.constant 0 : i32
    %c0_i32_1 = arith.constant 0 : i32
    return %c0_i32, %c0_i32_0 : i32, i32
  }
  func.func @transform_6(%arg0: i32) -> (i32, i32) {
    %c0_i32 = arith.constant 0 : i32
    %c0_i32_0 = arith.constant 0 : i32
    %c0_i32_1 = arith.constant 0 : i32
    return %c0_i32, %c0_i32_0 : i32, i32
  }
  func.func @transform_7(%arg0: i32) -> (i32, i32) {
    %c0_i32 = arith.constant 0 : i32
    %c0_i32_0 = arith.constant 0 : i32
    %c0_i32_1 = arith.constant 0 : i32
    return %c0_i32, %c0_i32_0 : i32, i32
  }
  func.func @transform_8(%arg0: i32) -> (i32, i32) {
    %c0_i32 = arith.constant 0 : i32
    %c0_i32_0 = arith.constant 0 : i32
    %c0_i32_1 = arith.constant 0 : i32
    return %c0_i32, %c0_i32_0 : i32, i32
  }
  func.func @transform_9(%arg0: i32) -> (i32, i32) {
    %c0_i32 = arith.constant 0 : i32
    %c0_i32_0 = arith.constant 0 : i32
    return %arg0, %c0_i32 : i32, i32
  }
  func.func @transform_10(%arg0: i32) -> (i32, i32) {
    %c0_i32 = arith.constant 0 : i32
    %c0_i32_0 = arith.constant 0 : i32
    return %arg0, %c0_i32 : i32, i32
  }
  func.func @transform_11(%arg0: i32) -> (i32, i32) {
    %c0_i32 = arith.constant 0 : i32
    %c0_i32_0 = arith.constant 0 : i32
    return %arg0, %c0_i32 : i32, i32
  }
  func.func @transform_12(%arg0: i32) -> (i32, i32, i32) {
    %c0_i32 = arith.constant 0 : i32
    %c0_i32_0 = arith.constant 0 : i32
    %c0_i32_1 = arith.constant 0 : i32
    return %arg0, %c0_i32, %c0_i32_0 : i32, i32, i32
  }
  func.func @transform_13(%arg0: i32) -> (i32, i32) {
    %c0_i32 = arith.constant 0 : i32
    %c0_i32_0 = arith.constant 0 : i32
    return %arg0, %c0_i32 : i32, i32
  }
  func.func @transform_14(%arg0: i32) -> (i32, i32) {
    %c0_i32 = arith.constant 0 : i32
    %c0_i32_0 = arith.constant 0 : i32
    return %arg0, %c0_i32 : i32, i32
  }
}

module attributes {stable_mosaic.version = 14 : i64} {
  func.func @_post_body(%arg0: i32, %arg1: memref<512x256xf32, #tpu.memory_space<vmem>>, %arg2: memref<512x256xf32, #tpu.memory_space<vmem>>, %arg3: memref<256x256xf32, #tpu.memory_space<vmem>>, %arg4: memref<512x256xf32, #tpu.memory_space<vmem>>) attributes {dimension_semantics = [#tpu.dimension_semantics<arbitrary>], iteration_bounds = array<i64: 16>, scalar_prefetch = 0 : i64, scratch_operands = 0 : i64, tpu.core_type = #tpu.core_type<tc>, window_params = [{transform_indices = @transform_0, window_bounds = array<i64: 512, 256>}, {transform_indices = @transform_1, window_bounds = array<i64: 512, 256>}, {pipeline_mode = #tpu.pipeline_mode<synchronous>, transform_indices = @transform_2, window_bounds = array<i64: 256, 256>}, {transform_indices = @transform_3, window_bounds = array<i64: 512, 256>}]} {
    %get3A = arith.constant 0 : index
    %get3A_0 = arith.constant 0 : index
    %get3A_1 = vector.load %arg2[%get3A, %get3A_0] : memref<512x256xf32, #tpu.memory_space<vmem>>, vector<512x256xf32>
    %get3A_2 = arith.constant 0 : index
    %get3A_3 = arith.constant 0 : index
    %get3A_4 = vector.load %arg1[%get3A_2, %get3A_3] : memref<512x256xf32, #tpu.memory_space<vmem>>, vector<512x256xf32>
    %mul3A = arith.mulf %get3A_1, %get3A_4 : vector<512x256xf32>
    %get3A_5 = arith.constant 0 : index
    %get3A_6 = arith.constant 0 : index
    %get3A_7 = vector.load %arg3[%get3A_5, %get3A_6] : memref<256x256xf32, #tpu.memory_space<vmem>>, vector<256x256xf32>
    %dot_general3A = arith.constant dense<0.000000e+00> : vector<512x256xf32>
    %dot_general3A_8 = tpu.matmul %mul3A, %get3A_7, %dot_general3A {dimension_numbers = #tpu.dot_dimension_numbers<[1], [0], [0], [1], [0, 0, 1, 1], [], []>, transpose_lhs_hint = false} : vector<512x256xf32>, vector<256x256xf32>, vector<512x256xf32> -> vector<512x256xf32>
    %swap3A = arith.constant 0 : index
    %swap3A_9 = arith.constant 0 : index
    %swap3A_10 = vector.load %arg4[%swap3A, %swap3A_9] : memref<512x256xf32, #tpu.memory_space<vmem>>, vector<512x256xf32>
    tpu.vector_store %arg4[%swap3A, %swap3A_9], %dot_general3A_8 {strides = array<i32>} : memref<512x256xf32, #tpu.memory_space<vmem>>, vector<512x256xf32>,
    return
  }
  func.func @transform_0(%arg0: i32) -> (i32, i32) {
    %c0_i32 = arith.constant 0 : i32
    %c0_i32_0 = arith.constant 0 : i32
    return %arg0, %c0_i32 : i32, i32
  }
  func.func @transform_1(%arg0: i32) -> (i32, i32) {
    %c0_i32 = arith.constant 0 : i32
    %c0_i32_0 = arith.constant 0 : i32
    return %arg0, %c0_i32 : i32, i32
  }
  func.func @transform_2(%arg0: i32) -> (i32, i32) {
    %c0_i32 = arith.constant 0 : i32
    %c0_i32_0 = arith.constant 0 : i32
    %c0_i32_1 = arith.constant 0 : i32
    return %c0_i32, %c0_i32_0 : i32, i32
  }
  func.func @transform_3(%arg0: i32) -> (i32, i32) {
    %c0_i32 = arith.constant 0 : i32
    %c0_i32_0 = arith.constant 0 : i32
    return %arg0, %c0_i32 : i32, i32
  }
}

</mosaic_0001>

<sc_bundles>
// kernel: kernel.5.cloned.1.call-start
scs
__scs_entry_jumppad:
0x0: {  	(pc) =	sbr.rel $0x88, $3  }
0x1: {  	(tag) =	ssettag $0x0;
	lr =	simm.s32 $0x1  }
0x2: {  	[smem:$0x3F97] =	sst lr;
	_ =	strace $0xD0000000  }
0x3: {  	_ = 	snop  }
0x4: {  	_ = 	snop  }
0x5: {  	_ = 	snop  }
0x6: {  	_ = 	snop  }
0x7: {  	_ = 	snop  }
__scs_overlays_trampoline_lowered:
0x8: {  	[smem:$0x3FA6] =	sst s0  }
0x9: {  	[smem:$0x3FA7] =	sst s1  }
0xa: {  	[smem:$0x3FA8] =	sst s2  }
0xb: {  	[smem:$0x3FA9] =	sst s3  }
0xc: {  	[smem:$0x3FAA] =	sst s4  }
0xd: {  	[smem:$0x3FAB] =	sst s5  }
0xe: {  	[smem:$0x3FAC] =	sst s6  }
0xf: {  	[smem:$0x3FAD] =	sst s7  }
0x10: {  	[smem:$0x3FAE] =	sst s8  }
0x11: {  	[smem:$0x3FAF] =	sst s9;
	s0 =	simm.s32 @!p0 $0x0  }
0x12: {  	s1 =	sld [smem:$0x3F95];
	s0 =	simm.s32 @p0 $0x1  }
0x13: {  	[smem:$0x3FB0] =	sst s0;
	s0 =	simm.s32 @!p1 $0x0  }
0x14: {  	s2 =	sld [smem:$0x3F94];
	s0 =	simm.s32 @p1 $0x1  }
0x15: {  	[smem:$0x3FB1] =	sst s0;
	s0 =	simm.s32 @!p2 $0x0  }
0x16: {  	s3 =	sld [smem:$0x3FDB];
	s0 =	simm.s32 @p2 $0x1  }
0x17: {  	s4 =	simm.s32 $0x1BF5;
	[smem:$0x3FB3] =	sst s0  }
0x18: {  	s0 =	sld [smem:$0x3F96];
	_ =	swait.ge [sflag:s4], $0x0  }
0x19: {  	s7 =	sld [smem:$0x3F97]  }
0x1a: {  	s8 =	sadd.s32 $0xFFFFE003, lr  }
0x1b: {  	s9 =	sadd.s32 $0xFFFFFEF7, lr;
	s5 =	simm.s32 $0xFFFFFFFF;
	p2 =	slt.u32 s8, $0xFFFFF086  }
0x1c: {  	p1 =	slt.u32 s9, $0xF7A;
	s5 =	simm.s32 @!p2 $0x0  }
0x1d: {  	s5 =	simm.s32 @p1 $0x1;
	p0 =	seq.s32 s7, s2  }
0x1e: {  	s7 =	smul.u32 @!p0 $0xF7A, s2;
	p2 =	seq.s32 @!p0 s5, $0x0  }
0x1f: {  	s9 =	smul.u32 $0xF7A, s1;
	s8 =	simm.s32 @!p0 $0x1BF5;
	p2 =	por !p2, p0  }
0x20: {  	[sflag:s8] =	ssyncset.s32 @!p0 $0xFFFFF086;
	s6 =	sadd.s32 @!p0 s3, s7;
	s7 =	simm.s32 @!p0 $0x108  }
0x21: {  	s3 =	sadd.s32 s3, s9;
	s6 =	sadd.s32 @!p0 $0x88, s6;
	s7 =	simm.s32 @p2 $0x1082  }
0x22: {  	[simem:s7], [sflag:s8] =	dma.local @!p0 [hbm:s6], $0xF7A  }
0x23: {  	s9 =	sor.u32 $0xD0000000, s2;
	s6 =	simm.s32 $0x108;
	_ =	swait.ge @!p0 [sflag:s8], $0x0  }
0x24: {  	s3 =	sadd.s32 $0x88, s3;
	s6 =	simm.s32 @!p1 $0x1082;
	[sflag:s4] =	ssyncset.s32 $0xFFFFF086  }
0x25: {  	[simem:s6], [sflag:s4] =	dma.local [hbm:s3], $0xF7A  }
0x26: {  	[smem:$0x3F97] =	sst s1;
	(tag) =	ssettag s2;
	_ =	strace s9  }
0x27: {  	s1 =	sld [smem:$0x3FA7]  }
0x28: {  	s2 =	sld [smem:$0x3FA8]  }
0x29: {  	s4 =	sld [smem:$0x3FAA]  }
0x2a: {  	p0 =	seq.s32 s5, $0x0;
	s5 =	sld [smem:$0x3FAB]  }
0x2b: {  	s6 =	sld [smem:$0x3FAC]  }
0x2c: {  	s7 =	sld [smem:$0x3FAD]  }
0x2d: {  	s3 =	simm.s32 $0x108;
	s8 =	sld [smem:$0x3FAE]  }
0x2e: {  	s3 =	simm.s32 @!p0 $0x1082;
	s9 =	sld [smem:$0x3FAF]  }
0x2f: {  	lr =	sadd.s32 s0, s3;
	s0 =	sld [smem:$0x3FA6]  }
0x30: {  	s3 =	sld [smem:$0x3FA9]  }
0x31: {  	[smem:$0x3FB2] =	sst s10  }
0x32: {  	s10 =	sld [smem:$0x3FB0];
	_ =	sdelay $0x3  }
0x33: {  	p0 =	seq.s32 s10, $0x1;
	s10 =	sld [smem:$0x3FB2];
	_ =	sdelay $0x3  }
0x34: {  	[smem:$0x3FB2] =	sst s10  }
0x35: {  	s10 =	sld [smem:$0x3FB1];
	_ =	sdelay $0x3  }
0x36: {  	p1 =	seq.s32 s10, $0x1;
	s10 =	sld [smem:$0x3FB2];
	_ =	sdelay $0x3  }
0x37: {  	[smem:$0x3FB2] =	sst s10  }
0x38: {  	s10 =	sld [smem:$0x3FB3]  }
0x39: {  	_ = 	snop;
	(pc) =	sbr.ind lr, $3  }
0x3a: {  	_ = 	snop  }
0x3b: {  	_ = 	snop  }
0x3c: {  	p2 =	seq.s32 s10, $0x1;
	s10 =	sld [smem:$0x3FB2]  }
0x3d: {  	_ =	shalt  }
0x3e: {  	_ =	shalt  }
0x3f: {  	_ =	shalt  }
0x40: {  	_ =	shalt  }
0x41: {  	_ =	shalt  }
0x42: {  	_ =	shalt  }
0x43: {  	_ =	shalt  }
0x44: {  	_ =	shalt  }
0x45: {  	_ =	shalt  }
0x46: {  	_ =	shalt  }
0x47: {  	_ =	shalt  }
0x48: {  	_ =	shalt  }
0x49: {  	_ =	shalt  }
0x4a: {  	_ =	shalt  }
0x4b: {  	_ =	shalt  }
0x4c: {  	_ =	shalt  }
0x4d: {  	_ =	shalt  }
0x4e: {  	_ =	shalt  }
0x4f: {  	_ =	shalt  }
0x50: {  	_ =	shalt  }
0x51: {  	_ =	shalt  }
0x52: {  	_ =	shalt  }
0x53: {  	_ =	shalt  }
0x54: {  	_ =	shalt  }
0x55: {  	_ =	shalt  }
0x56: {  	_ =	shalt  }
0x57: {  	_ =	shalt  }
0x58: {  	_ =	shalt  }
0x59: {  	_ =	shalt  }
0x5a: {  	_ =	shalt  }
0x5b: {  	_ =	shalt  }
0x5c: {  	_ =	shalt  }
0x5d: {  	_ =	shalt  }
0x5e: {  	_ =	shalt  }
0x5f: {  	_ =	shalt  }
0x60: {  	_ =	shalt  }
0x61: {  	_ =	shalt  }
0x62: {  	_ =	shalt  }
0x63: {  	_ =	shalt  }
0x64: {  	_ =	shalt  }
0x65: {  	_ =	shalt  }
0x66: {  	_ =	shalt  }
0x67: {  	_ =	shalt  }
0x68: {  	_ =	shalt  }
0x69: {  	_ =	shalt  }
0x6a: {  	_ =	shalt  }
0x6b: {  	_ =	shalt  }
0x6c: {  	_ =	shalt  }
0x6d: {  	_ =	shalt  }
0x6e: {  	_ =	shalt  }
0x6f: {  	_ =	shalt  }
0x70: {  	_ =	shalt  }
0x71: {  	_ =	shalt  }
0x72: {  	_ =	shalt  }
0x73: {  	_ =	shalt  }
0x74: {  	_ =	shalt  }
0x75: {  	_ =	shalt  }
0x76: {  	_ =	shalt  }
0x77: {  	_ =	shalt  }
0x78: {  	_ =	shalt  }
0x79: {  	_ =	shalt  }
0x7a: {  	_ =	shalt  }
0x7b: {  	_ =	shalt  }
0x7c: {  	_ =	shalt  }
0x7d: {  	_ =	shalt  }
0x7e: {  	_ =	shalt  }
0x7f: {  	_ =	shalt  }
0x80: {  	_ =	shalt  }
0x81: {  	_ =	shalt  }
0x82: {  	_ =	shalt  }
0x83: {  	_ =	shalt  }
0x84: {  	_ =	shalt  }
0x85: {  	_ =	shalt  }
0x86: {  	_ =	shalt  }
0x87: {  	_ =	shalt  }
.Lfunc_end0:
.L_simem_size_0:
called_computation_lowered:
.L_overlay_start_0:
0x88: {  	s2 =	sld [smem:$0x3FD9]  }
0x89: {  	s3 =	sld [smem:$0x3FFE];
	_ =	sdelay $0x1  }
0x8a: {  	s1 =	srdreg.scid  }
0x8b: {  	s0 =	sand.u32 $0x1, s1  }
0x8c: {  	s17 =	sshll.u32 s0, $0xA;
	s2 =	sadd.s32 s3, s2  }
0x8d: {  	s2 =	sadd.s32 s2, s17  }
0x8e: {  	[smem:$0x3FBE] =	sst s2  }
0x8f: {  	_ = 	snop  }
0x90: {  	s2 =	sld [smem:$0x3FD0];
	(tm) =	ssettm $0x1  }
0x91: {  	s18 =	sld [smem:$0x3FFB];
	_ =	sdelay $0x3  }
0x92: {  	_ =	strace s18  }
0x93: {  	s3 =	sld [smem:$0x3FFC];
	_ =	sdelay $0x3  }
0x94: {  	_ =	strace s3  }
0x95: {  	s3 =	sld [smem:$0x3FFD];
	_ =	sdelay $0x3  }
0x96: {  	_ =	strace s3  }
0x97: {  	_ =	strace $0x8FFFFFFF  }
0x98: {  	s19 =	sld [smem:$0x3FDB];
	_ =	sdelay $0x1  }
0x99: {  	s4 =	simm.s32 $_scs_section_size  }
0x9a: {  	s5 =	simm.s32 $_size__tile_overlayer_lowered;
	s6 =	simm.s32 $_tile_overlayer_lowered  }
0x9b: {  	s22 =	simm.s32 $0x1BFF;
	s21 =	sshll.u32 s6, $0x1;
	s3 =	sadd.s32 s4, s19  }
0x9c: {  	s7 =	simm.s32 $0x0;
	s20 =	sshll.u32 s5, $0x1;
	s5 =	sadd.s32 s21, s3  }
0x9d: {  	[timem:s7], [sflag:s22] =	dma.local [hbm:s5], s20  }
0x9e: {  	_ =	swait.ge [sflag:s22], s20  }
0x9f: {  	s4 =	ssub.s32 $0x0, s20;
	[sflag:s22] =	ssyncset.done $0x0  }
0xa0: {  	[sflag:s22] =	ssyncadd.s32 s4;
	_ =	sdelay $0x1  }
0xa1: {  	s23 =	simm.s32 $0x1B8B  }
0xa2: {  	_ =	swait.ge [sflag:s23], $0x1  }
0xa3: {  	[sflag:s23] =	ssyncset.done $0x0  }
0xa4: {  	s25 =	simm.s32 $0x1B8E;
	s24 =	sld [smem:$0x3FFE];
	[sflag:s23] =	ssyncadd.s32 $0xFFFFFFFF  }
0xa5: {  	s26 =	simm.s32 $execute0_lowered;
	[smem:$0x3FD2] =	sst s25  }
0xa6: {  	s5 =	sshll.u32 s26, $0x1;
	_ =	strace $0x80000046;
	[dreg:$0x1] =	wrdreg $0xFFFFFFFF  }
0xa7: {  	s28 =	simm.s32 $_size_execute0_lowered;
	s3 =	sadd.s32 s3, s5;
	[dreg:$0x0] =	wrdreg $0x0  }
0xa8: {  	s5 =	sshll.u32 s28, $0x1;
	[dreg:$0x2] =	wrdreg s3  }
0xa9: {  	[dreg:$0x3] =	wrdreg s5  }
0xaa: {  	[dreg:$0x4] =	wrdreg $0xC0  }
0xab: {  	_ =	task [dreg:s7], $0x5FFFF  }
0xac: {  	[dreg:$0x1] =	wrdreg $0xFFFFFFFF  }
0xad: {  	[dreg:$0x0] =	wrdreg $0x60  }
0xae: {  	[dreg:$0x2] =	wrdreg s24  }
0xaf: {  	[dreg:$0x3] =	wrdreg s2  }
0xb0: {  	[dreg:$0x4] =	wrdreg $0x9  }
0xb1: {  	_ =	task.clear_ibuf [dreg:s7], $0x5FFFF;
	_ =	strace $0x90000046  }
0xb2: {  	s29 =	simm.s32 $0x9;
	_ =	strace $0x80000048  }
0xb3: {  	_ =	swait.ge [sflag:s29], $0x1  }
0xb4: {  	[sflag:s29] =	ssyncadd.s32 $0xFFFFFFFF  }
0xb5: {  	_ =	strace $0x90000048  }
0xb6: {  	_ =	sfence  }
0xb7: {  	s30 =	sld [smem:$0x0];
	_ =	sdelay $0x2  }
0xb8: {  	s31 =	sshll.u32 s1, $0xD;
	s1 =	sshrl.u32 s1, $0x2  }
0xb9: {  	s3 =	sand.u32 $0x4000, s31;
	s1 =	sadd.s32 s1, s30  }
0xba: {  	s0 =	sor.u32 s3, s0;
	s1 =	sshll.u32 s1, $0x11  }
0xbb: {  	s0 =	sor.u32 s1, s0  }
0xbc: {  	s0 =	sadd.s32 $0x8F2B, s0  }
0xbd: {  	[sflag:s0] =	ssyncadd.remote.s32 $0x1  }
0xbe: {  	_ =	sfence.sel $0xFFFF  }
0xbf: {  	[dreg:$0x0] =	wrdreg $0xFFFFFFFF;
	(pc) =	sbr.abs _section_cstart, $3  }
0xc0: {  	[dreg:$0x1] =	wrdreg $0xFFFFFFFF  }
0xc1: {  	_ =	task.clear_ibuf [dreg:s7], $0x2FFFF;
	_ =	strace $0x9FFFFFFF  }
0xc2: {  	(tm) =	ssettm $0x7FFFFFFF  }
0xc3: {  	_ =	shalt  }
tec
execute0_lowered:
.L_overlay_start_1:
0x0: {  	(tag) =	ssettag $0x1  }
0x1: {  	s0 =	rddreg [dreg:$0x0]  }
0x2: {  	s2 =	rddreg [dreg:$0x1];
	s3 =	simm.s32 $0x0  }
0x3: {  	s1 =	srdreg.scid;
	s4 =	stileid.u32;
	s14 =	simm.s32 $0x4  }
0x4: {  	s16 =	simm.s32 $0x2000;
	s17 =	simm.s32 $0x40;
	s18 =	simm.s32 $0x8000  }
0x5: {  	s19 =	simm.s32 $0x2;
	s20 =	simm.s32 $0x3;
	s21 =	simm.s32 $0x1  }
0x6: {  	s22 =	simm.s32 $0x0;
	[smem:$0x7FF] =	sst s3;
	s1 =	sand.u32 $0x1, s1  }
0x7: {  	s5 =	sshll.u32 s4, $0x1;
	s4 =	sadd.s32 $0x4C1A00, s0;
	_ =	strace $0x80000047  }
0x8: {  	s6 =	sor.u32 s1, s5;
	s5 =	sadd.s32 $0x1A00, s0;
	s1 =	ssub.s32 $0x2, s1  }
0x9: {  	s7 =	sshll.u32 s6, $0xA;
	s6 =	sshll.u32 s6, $0xD;
	s8 =	sshrl.u32 s1, $0x1  }
0xa: {  	v1 =	vlaneseq.u32;
	s7 =	sadd.s32 s7, s0;
	s0 =	sadd.s32 s6, s0;
	s31 =	sadd.s32 s4, s6  }
0xb: {  	v0 =	vmul.u32 $0x200, v1;
	v1 =	vmul.u32 $0x8, v1;
	s1 =	ssub.s32 s1, s8;
	s30 =	sadd.s32 $0x509A00, s7;
	[dreg:$0x5] =	wrdreg s31  }
0xc: {  	s10 =	sadd.s32 s2, s6;
	s7 =	sadd.s32 $0x501A00, s7;
	[dreg:$0x3] =	wrdreg s30  }
0xd: {  	v2 =	vor.u32 $0x2000, v0;
	v3 =	vor.u32 $0x80, v1;
	s11 =	sadd.s32 $0x81A00, s0;
	s12 =	smax.u32 s1, $0x1;
	[dreg:$0x4] =	wrdreg s7  }
.LBB2_1:
0xe: {  	s0 =	rddreg [dreg:$0x3];
	s1 =	simm.s32 $0x6000  }
0xf: {  	[tilespmem:s1], [sflag:$0x4] =	stream.linear.gather [hbm4b:s0+s3], $0x2000, $0x38;
	[tilespmem:$0x1A000] =	vst v63  }
0x10: {  	_ =	swait.ge [sflag:s14], $0x2000  }
0x11: {  	[sflag:s14] =	ssyncset.done $0x0  }
0x12: {  	s7 =	simm.s32 $0x4000;
	s30 =	rddreg [dreg:$0x4];
	[sflag:s14] =	ssyncadd.s32 $0xFFFFE000  }
0x13: {  	[tilespmem:s7], [sflag:$0x4] =	stream.linear.gather [hbm4b:s30+s3], $0x2000, $0x38;
	[tilespmem:$0x1A000] =	vst v63  }
0x14: {  	_ =	swait.ge [sflag:s14], $0x2000  }
0x15: {  	[sflag:s14] =	ssyncset.done $0x0  }
0x16: {  	s31 =	rddreg [dreg:$0x5];
	[sflag:s14] =	ssyncadd.s32 $0xFFFFE000  }
0x17: {  	[tilespmem:s3], [sflag:$0x2] =	stream.linear.gather [hbm4b:s31+s3], $0x1000, $0x38;
	[tilespmem:$0x1A000] =	vst v63  }
0x18: {  	_ = 	snop  }
0x19: {  	[tilespmem:s16], [sflag:$0x2] =	stream.linear.gather [hbm4b:s10+s3], $0x1000, $0x38;
	[tilespmem:$0x1A000] =	vst v63  }
0x1a: {  	s0 =	simm.s32 $0x0  }
0x1b: {  	[tilespmem:s18], [sflag:$0x1] =	stream.indirect.gather [hbm4b:s5+s17], $0x200, s1, s17, $0xb8;
	[tilespmem:$0x1A000] =	vst v63  }
.LBB2_2:
0x1c: {  	s23 =	sand.u32 $0x7, s0  }
0x1d: {  	p0 =	sne.s32 s23, $0x0  }
.Ltmp0:
0x1e: {  	_ = 	snop;
	(pc) =	sbr.rel @p0 .LBB2_6-.Ltmp0, $2  }
0x1f: {  	_ =	sdelay $0x2  }
0x20: {  	s24 =	sshrl.u32 s0, $0x3  }
0x21: {  	_ =	swait.ge [sflag:s19], $0x1000  }
0x22: {  	p0 =	sgt.u32 s0, $0x77;
	[sflag:s19] =	ssyncset.done $0x0  }
0x23: {  	s1 =	sadd.s32 @!p0 $0x1, s24;
	[sflag:s19] =	ssyncadd.s32 $0xFFFFF000  }
0x24: {  	s15 =	simm.s32 @!p0 $0x0;
	s7 =	sshll.u32 @!p0 s1, $0x9;
	_ =	swait.ge [sflag:s19], $0x1000  }
0x25: {  	s1 =	sshll.u32 @!p0 s1, $0xC;
	s7 =	sadd.s32 @!p0 s6, s7;
	[sflag:s19] =	ssyncset.done $0x0  }
0x26: {  	s1 =	sand.u32 @!p0 $0x1000, s1;
	s13 =	sadd.s32 @!p0 s4, s7;
	[sflag:s19] =	ssyncadd.s32 $0xFFFFF000  }
0x27: {  	[tilespmem:s1], [sflag:$0x2] =	stream.linear.gather @!p0 [hbm4b:s13+s15], $0x1000, $0x38;
	[tilespmem:$0x1A000] =	vst v63  }
0x28: {  	p1 =	sgt.u32 @!p0 s0, $0xF;
	s7 =	sadd.s32 @!p0 s2, s7;
	s1 =	sor.u32 @!p0 $0x2000, s1  }
0x29: {  	[tilespmem:s1], [sflag:$0x2] =	stream.linear.gather @!p0 [hbm4b:s7+s15], $0x1000, $0x38;
	[tilespmem:$0x1A000] =	vst v63  }
0x2a: {  	p0 =	por p0, p1  }
.Ltmp1:
0x2b: {  	_ = 	snop;
	(pc) =	sbr.rel @!p0 .LBB2_4-.Ltmp1, $1  }
0x2c: {  	_ =	sdelay $0x3  }
0x2d: {  	_ =	swait.ge [sflag:s20], $0x1000  }
0x2e: {  	[sflag:s20] =	ssyncset.done $0x0  }
0x2f: {  	[sflag:s20] =	ssyncadd.s32 $0xFFFFF000  }
.LBB2_6:
0x30: {  	p0 =	seq.s32 s0, $0x7F  }
.Ltmp2:
0x31: {  	_ = 	snop;
	(pc) =	sbr.rel @p0 .LBB2_9-.Ltmp2, $2  }
0x32: {  	_ =	sdelay $0x2  }
0x33: {  	s25 =	simm.s32 $0x80  }
.Ltmp3:
0x34: {  	(pc) =	sbr.rel .LBB2_8-.Ltmp3, $2  }
0x35: {  	_ =	sdelay $0x2  }
0x36: {  	s25 =	sadd.s32 $0x1, s0  }
.LBB2_4:
0x37: {  	s25 =	sor.u32 $0x1, s0  }
.LBB2_8:
0x38: {  	s1 =	sshll.u32 s25, $0xF;
	s7 =	sshll.u32 s25, $0x6  }
0x39: {  	s1 =	sand.u32 $0x8000, s1;
	s7 =	sand.u32 $0x3FFFFFC0, s7  }
0x3a: {  	s1 =	sadd.s32 $0x8000, s1;
	s7 =	sadd.s32 $0x6000, s7  }
0x3b: {  	[tilespmem:s1], [sflag:$0x1] =	stream.indirect.gather [hbm4b:s5+s17], $0x200, s7, s17, $0xb8;
	[tilespmem:$0x1A000] =	vst v63  }
.LBB2_9:
0x3c: {  	_ =	swait.ge [sflag:s21], $0x8000  }
0x3d: {  	s26 =	sand.u32 $0x1, s24;
	s1 =	sand.u32 $0x1, s0;
	s28 =	sshll.u32 s23, $0x1  }
0x3e: {  	s13 =	sshll.u32 s0, $0x6;
	s7 =	sshll.u32 s23, $0x9;
	p1 =	por $0x1, $0x1  }
0x3f: {  	[sflag:s21] =	ssyncset.done $0x0;
	s0 =	sand.u32 $0x3FFFFFC0, s13;
	s29 =	sshll.u32 s26, $0xC  }
0x40: {  	s15 =	sshll.u32 s1, $0xF;
	[sflag:s21] =	ssyncadd.s32 $0xFFFF8000;
	s13 =	sadd.s32 $0x4000, s0  }
0x41: {  	s30 =	sor.u32 s7, s29;
	v4 =	vmov s15;
	s31 =	sadd.s32 $0x9F10, s15;
	s0 =	simm.s32 $0x0;
	v5 =	vmov s13  }
.LBB2_10:
0x42: {  	_ =	sdelay $0x2  }
0x43: {  	s1 =	sshll.u32 s0, $0x5  }
0x44: {  	v6 =	vld.idx.msk [tilespmem:v5+s1+$0x0 ss:$0x1], $0xffff  }
0x45: {  	v7 =	vld.idx.msk [tilespmem:v5+s1+$0x10 ss:$0x1], $0xffff  }
0x46: {  	s7 =	sor.u32 s28, s0;
	v8 =	vmov s1  }
0x47: {  	s7 =	sshll.u32 s7, $0x8;
	v11 =	vshll.u32 v8, $0x9  }
0x48: {  	s7 =	sadd.s32 s29, s7;
	v12 =	vor.u32 v0, v11  }
0x49: {  	s15 =	sshll.u32 s0, $0x8;
	v13 =	vor.u32 v2, v11;
	v18 =	vor.u32 s7, v1;
	v19 =	vor.u32 s7, v3  }
0x4a: {  	s13 =	sshll.u32 s0, $0x10;
	s1 =	sadd.s32 s15, s30;
	v13 =	vor.u32 v4, v13;
	v9 =	vadd.f32 $-1.000000000e+00, v6;
	v10 =	vadd.f32 $-1.000000000e+00, v7  }
0x4b: {  	s13 =	sshra.s32 s13, $0x2;
	s1 =	sshll.u32 s1, $0x2;
	v15 =	vor.u32 $0x8, v13;
	v16 =	vor.u32 $0x10, v13;
	v17 =	vor.u32 $0x18, v13  }
0x4c: {  	p0 =	por p1, p1;
	s15 =	sadd.s32 s13, s31;
	s0 =	sshra.s32 s1, $0x2;
	v8 =	vmul.f32 $1.000000000e+09, v9;
	v9 =	vmul.f32 $1.000000000e+09, v10;
	v10 =	vor.u32 v4, v12  }
0x4d: {  	s13 =	simm.s32 $0x0;
	s7 =	simm.s32 $0x0;
	s1 =	sadd.s32 $0x18000, s0;
	v11 =	vor.u32 $0x8, v10;
	v12 =	vor.u32 $0x10, v10;
	v14 =	vor.u32 $0x18, v10  }
.LBB2_11:
0x4e: {  	v20 =	vor.u32 s13, v10  }
0x4f: {  	v22 =	vor.u32 s13, v13  }
0x50: {  	v23 =	vor.u32 $0x1, v20  }
0x51: {  	v25 =	vor.u32 $0x1, v22  }
0x52: {  	v21 =	vld [tilespmem:s0+$0x0];
	v26 =	vor.u32 $0x2, v20  }
0x53: {  	v29 =	vor.u32 $0x2, v22;
	v24 =	vld.idx.msk [tilespmem:v20+s18+$0x0], $0xffff  }
0x54: {  	v30 =	vor.u32 $0x3, v20;
	v27 =	vld.idx.msk [tilespmem:v22+s18+$0x0], $0xffff  }
0x55: {  	v31 =	vor.u32 $0x3, v22;
	v23 =	vld.idx.msk [tilespmem:v23+s18+$0x0], $0xffff  }
0x56: {  	v33 =	vor.u32 $0x4, v20;
	v25 =	vld.idx.msk [tilespmem:v25+s18+$0x0], $0xffff  }
0x57: {  	v59 =	vor.u32 $0x4, v22;
	v26 =	vld.idx.msk [tilespmem:v26+s18+$0x0], $0xffff  }
0x58: {  	v62 =	vor.u32 $0x5, v22;
	v28 =	vbroadcast v21, $0x0;
	v58 =	vld.idx.msk [tilespmem:v29+s18+$0x0], $0xffff  }
0x59: {  	v35 =	vor.u32 $0x5, v20;
	v32 =	vbroadcast v21, $0x1;
	v34 =	vbroadcast v21, $0x2;
	v30 =	vld.idx.msk [tilespmem:v30+s18+$0x0], $0xffff  }
0x5a: {  	v36 =	vor.u32 $0x6, v20;
	v63 =	vbroadcast v21, $0x3;
	v40 =	vbroadcast v21, $0x4;
	v60 =	vld.idx.msk [tilespmem:v31+s18+$0x0], $0xffff  }
0x5b: {  	v42 =	vor.u32 $0x6, v22;
	v45 =	vbroadcast v21, $0x5;
	v50 =	vbroadcast v21, $0x6;
	v61 =	vld.idx.msk [tilespmem:v33+s18+$0x0], $0xffff  }
0x5c: {  	v20 =	vor.u32 $0x7, v20;
	v55 =	vbroadcast v21, $0x7;
	v38 =	vld.idx.msk [tilespmem:v59+s18+$0x0], $0xffff;
	v27 =	vmul.f32 v27, v28  }
0x5d: {  	v22 =	vor.u32 $0x7, v22;
	v44 =	vld.idx.msk [tilespmem:v62+s18+$0x0], $0xffff;
	v62 =	vbroadcast v21, $0x8;
	v24 =	vmul.f32 v24, v28  }
0x5e: {  	v41 =	vld.idx.msk [tilespmem:v35+s18+$0x0], $0xffff;
	v23 =	vmul.f32 v23, v32;
	v25 =	vmul.f32 v25, v32;
	v27 =	vadd.f32 $0.0e+00, v27  }
0x5f: {  	v46 =	vld.idx.msk [tilespmem:v36+s18+$0x0], $0xffff;
	v31 =	vor.u32 s13, v17;
	v26 =	vmul.f32 v26, v34;
	v37 =	vmul.f32 v58, v34  }
0x60: {  	v49 =	vld.idx.msk [tilespmem:v42+s18+$0x0], $0xffff;
	v39 =	vmul.f32 v30, v63;
	v24 =	vadd.f32 $0.0e+00, v24;
	v25 =	vadd.f32 v25, v27  }
0x61: {  	v43 =	vmul.f32 v61, v40;
	v47 =	vmul.f32 v38, v40;
	v30 =	vor.u32 s13, v15  }
0x62: {  	v23 =	vadd.f32 v23, v24;
	v24 =	vmul.f32 v60, v63;
	v25 =	vadd.f32 v37, v25  }
0x63: {  	v48 =	vmul.f32 v41, v45;
	v52 =	vmul.f32 v44, v45;
	v61 =	vor.u32 $0x2, v30  }
0x64: {  	v20 =	vld.idx.msk [tilespmem:v20+s18+$0x0], $0xffff;
	v23 =	vadd.f32 v26, v23;
	v24 =	vadd.f32 v24, v25;
	v25 =	vor.u32 s13, v11  }
0x65: {  	v22 =	vld.idx.msk [tilespmem:v22+s18+$0x0], $0xffff;
	v53 =	vmul.f32 v46, v50;
	v59 =	vmul.f32 v49, v50;
	v54 =	vor.u32 $0x1, v30  }
0x66: {  	v40 =	vbroadcast v21, $0x9;
	v23 =	vadd.f32 v39, v23;
	v51 =	vor.u32 $0x1, v25  }
0x67: {  	v46 =	vbroadcast v21, $0xA;
	v32 =	vor.u32 s13, v12;
	v58 =	vld.idx.msk [tilespmem:v30+s18+$0x0], $0xffff;
	v57 =	vor.u32 $0x2, v25  }
0x68: {  	v34 =	vor.u32 s13, v16;
	v45 =	vld.idx.msk [tilespmem:v61+s18+$0x0], $0xffff;
	v63 =	vor.u32 $0x3, v25;
	v23 =	vadd.f32 v43, v23  }
0x69: {  	v42 =	vor.u32 $0x3, v30;
	v20 =	vmul.f32 v20, v55;
	v24 =	vadd.f32 v47, v24;
	v56 =	vld.idx.msk [tilespmem:v25+s18+$0x0], $0xffff  }
0x6a: {  	v22 =	vmul.f32 v22, v55;
	v38 =	vld.idx.msk [tilespmem:v54+s18+$0x0], $0xffff;
	v49 =	vor.u32 $0x5, v25;
	v23 =	vadd.f32 v48, v23  }
0x6b: {  	v54 =	vor.u32 $0x6, v25;
	v43 =	vor.u32 $0x4, v25;
	v24 =	vadd.f32 v52, v24;
	v60 =	vld.idx.msk [tilespmem:v51+s18+$0x0], $0xffff  }
0x6c: {  	v26 =	vmul.f32 v58, v62;
	v58 =	vor.u32 $0x6, v30;
	v23 =	vadd.f32 v53, v23;
	v41 =	vld.idx.msk [tilespmem:v57+s18+$0x0], $0xffff  }
0x6d: {  	v48 =	vor.u32 $0x4, v30;
	v52 =	vor.u32 $0x5, v30;
	v24 =	vadd.f32 v59, v24;
	v47 =	vld.idx.msk [tilespmem:v63+s18+$0x0], $0xffff  }
0x6e: {  	v55 =	vmul.f32 v45, v46;
	v51 =	vld.idx.msk [tilespmem:v42+s18+$0x0], $0xffff;
	v20 =	vadd.f32 v20, v23;
	v39 =	vmul.f32 v56, v62  }
0x6f: {  	v30 =	vor.u32 $0x7, v30;
	v45 =	vor.u32 $0x2, v32;
	v42 =	vld.idx.msk [tilespmem:v32+s18+$0x0], $0xffff;
	v22 =	vadd.f32 v22, v24  }
0x70: {  	v25 =	vor.u32 $0x7, v25;
	v24 =	vld.idx.msk [tilespmem:v43+s18+$0x0], $0xffff;
	v44 =	vmul.f32 v60, v40;
	v20 =	vadd.f32 v39, v20  }
0x71: {  	v53 =	vbroadcast v21, $0xB;
	v23 =	vmul.f32 v38, v40;
	v37 =	vld.idx.msk [tilespmem:v58+s18+$0x0], $0xffff;
	v22 =	vadd.f32 v26, v22  }
0x72: {  	v59 =	vbroadcast v21, $0xC;
	v57 =	vld.idx.msk [tilespmem:v48+s18+$0x0], $0xffff;
	v50 =	vmul.f32 v41, v46;
	v20 =	vadd.f32 v44, v20  }
0x73: {  	v63 =	vbroadcast v21, $0xD;
	v38 =	vbroadcast v21, $0xE;
	v26 =	vld.idx.msk [tilespmem:v49+s18+$0x0], $0xffff;
	v22 =	vadd.f32 v23, v22  }
0x74: {  	v21 =	vbroadcast v21, $0xF;
	v56 =	vmul.f32 v47, v53;
	v60 =	vld.idx.msk [tilespmem:v52+s18+$0x0], $0xffff;
	v20 =	vadd.f32 v50, v20  }
0x75: {  	v43 =	vor.u32 $0x1, v34;
	v62 =	vld.idx.msk [tilespmem:v54+s18+$0x0], $0xffff;
	v61 =	vmul.f32 v51, v53;
	v22 =	vadd.f32 v55, v22  }
0x76: {  	v25 =	vld.idx.msk [tilespmem:v25+s18+$0x0], $0xffff;
	v53 =	vor.u32 $0x3, v34;
	v24 =	vmul.f32 v24, v59;
	v20 =	vadd.f32 v56, v20  }
0x77: {  	v41 =	vld.idx.msk [tilespmem:v30+s18+$0x0], $0xffff;
	v39 =	vor.u32 $0x1, v32;
	v36 =	vmul.f32 v57, v59;
	v22 =	vadd.f32 v61, v22  }
0x78: {  	v48 =	vor.u32 $0x2, v34;
	v50 =	vor.u32 $0x3, v32;
	v24 =	vadd.f32 v24, v20;
	v20 =	vld [tilespmem:s0+$0x10]  }
0x79: {  	v47 =	vld.idx.msk [tilespmem:v34+s18+$0x0], $0xffff;
	v46 =	vmul.f32 v37, v38;
	v23 =	vmul.f32 v60, v63;
	v22 =	vadd.f32 v36, v22  }
0x7a: {  	v52 =	vld.idx.msk [tilespmem:v43+s18+$0x0], $0xffff;
	v26 =	vmul.f32 v26, v63;
	v40 =	vmul.f32 v62, v38;
	v62 =	vor.u32 $0x5, v32  }
0x7b: {  	v55 =	vor.u32 $0x4, v32;
	v25 =	vmul.f32 v25, v21;
	v37 =	vld.idx.msk [tilespmem:v53+s18+$0x0], $0xffff;
	v22 =	vadd.f32 v23, v22  }
0x7c: {  	v21 =	vmul.f32 v41, v21;
	v60 =	vor.u32 $0x4, v34;
	v27 =	vld.idx.msk [tilespmem:v39+s18+$0x0], $0xffff;
	v24 =	vadd.f32 v26, v24  }
0x7d: {  	v41 =	vor.u32 $0x6, v32;
	v59 =	vld.idx.msk [tilespmem:v50+s18+$0x0], $0xffff;
	v22 =	vadd.f32 v46, v22;
	v49 =	vbroadcast v20, $0x0  }
0x7e: {  	v44 =	vadd.f32 v40, v24;
	v24 =	vld.idx.msk [tilespmem:v45+s18+$0x0], $0xffff;
	v54 =	vbroadcast v20, $0x1;
	v61 =	vbroadcast v20, $0x2  }
0x7f: {  	v46 =	vor.u32 $0x6, v34;
	v45 =	vld.idx.msk [tilespmem:v62+s18+$0x0], $0xffff;
	v38 =	vbroadcast v20, $0x3;
	v62 =	vbroadcast v20, $0x7  }
0x80: {  	v39 =	vld.idx.msk [tilespmem:v55+s18+$0x0], $0xffff;
	v23 =	vadd.f32 v25, v44;
	v44 =	vbroadcast v20, $0x4;
	v51 =	vmul.f32 v42, v49  }
0x81: {  	v43 =	vld.idx.msk [tilespmem:v60+s18+$0x0], $0xffff;
	v21 =	vadd.f32 v21, v22;
	v58 =	vmul.f32 v47, v49;
	v27 =	vmul.f32 v27, v54  }
0x82: {  	v57 =	vld.idx.msk [tilespmem:v48+s18+$0x0], $0xffff;
	v40 =	vor.u32 $0x5, v34;
	v63 =	vmul.f32 v52, v54;
	v42 =	vmul.f32 v59, v38  }
0x83: {  	v47 =	vor.u32 $0x7, v32;
	v48 =	vmul.f32 v37, v38;
	v52 =	vbroadcast v20, $0x5  }
0x84: {  	v32 =	vor.u32 s13, v14;
	v59 =	vor.u32 $0x1, v31;
	v56 =	vadd.f32 v51, v23  }
0x85: {  	v36 =	vld.idx.msk [tilespmem:v31+s18+$0x0], $0xffff;
	v37 =	vbroadcast v20, $0x8;
	v49 =	vmul.f32 v39, v44;
	v21 =	vadd.f32 v58, v21  }
0x86: {  	v25 =	vld.idx.msk [tilespmem:v41+s18+$0x0], $0xffff;
	v53 =	vmul.f32 v43, v44;
	v24 =	vmul.f32 v24, v61;
	v22 =	vadd.f32 v27, v56  }
0x87: {  	v55 =	vld.idx.msk [tilespmem:v46+s18+$0x0], $0xffff;
	v23 =	vmul.f32 v57, v61;
	v51 =	vor.u32 $0x7, v34;
	v21 =	vadd.f32 v63, v21  }
0x88: {  	v39 =	vor.u32 $0x2, v31;
	v41 =	vor.u32 $0x3, v32;
	v50 =	vld.idx.msk [tilespmem:v40+s18+$0x0], $0xffff;
	v22 =	vadd.f32 v24, v22  }
0x89: {  	v44 =	vbroadcast v20, $0x9;
	v54 =	vmul.f32 v45, v52;
	v60 =	vld.idx.msk [tilespmem:v32+s18+$0x0], $0xffff;
	v21 =	vadd.f32 v23, v21  }
0x8a: {  	v57 =	vor.u32 $0x1, v32;
	v61 =	vor.u32 $0x2, v32;
	v40 =	vld.idx.msk [tilespmem:v59+s18+$0x0], $0xffff;
	v22 =	vadd.f32 v42, v22  }
0x8b: {  	v45 =	vor.u32 $0x3, v31;
	v56 =	vbroadcast v20, $0x6;
	v23 =	vld.idx.msk [tilespmem:v47+s18+$0x0], $0xffff;
	v21 =	vadd.f32 v48, v21  }
0x8c: {  	v46 =	vmul.f32 v36, v37;
	v59 =	vbroadcast v20, $0xB;
	v58 =	vld.idx.msk [tilespmem:v51+s18+$0x0], $0xffff;
	v22 =	vadd.f32 v49, v22  }
0x8d: {  	v25 =	vmul.f32 v25, v56;
	v27 =	vmul.f32 v50, v52;
	v21 =	vadd.f32 v53, v21  }
0x8e: {  	v63 =	vmul.f32 v55, v56;
	v47 =	vor.u32 $0x4, v32;
	v22 =	vadd.f32 v54, v22  }
0x8f: {  	v56 =	vor.u32 $0x5, v31;
	v38 =	vld.idx.msk [tilespmem:v57+s18+$0x0], $0xffff;
	v50 =	vbroadcast v20, $0xA;
	v21 =	vadd.f32 v27, v21  }
0x90: {  	v43 =	vld.idx.msk [tilespmem:v61+s18+$0x0], $0xffff;
	v51 =	vor.u32 $0x4, v31;
	v23 =	vmul.f32 v23, v62;
	v22 =	vadd.f32 v25, v22  }
0x91: {  	v42 =	vmul.f32 v60, v37;
	v24 =	vmul.f32 v58, v62;
	v21 =	vadd.f32 v63, v21  }
0x92: {  	v49 =	vld.idx.msk [tilespmem:v39+s18+$0x0], $0xffff;
	v52 =	vmul.f32 v40, v44;
	v54 =	vor.u32 $0x5, v32;
	v22 =	vadd.f32 v23, v22  }
0x93: {  	v53 =	vld.idx.msk [tilespmem:v41+s18+$0x0], $0xffff;
	v60 =	vor.u32 $0x6, v31;
	v31 =	vor.u32 $0x7, v31;
	v21 =	vadd.f32 v24, v21  }
0x94: {  	v57 =	vld.idx.msk [tilespmem:v45+s18+$0x0], $0xffff;
	v48 =	vmul.f32 v38, v44;
	v58 =	vor.u32 $0x6, v32;
	v22 =	vadd.f32 v42, v22  }
0x95: {  	v55 =	vmul.f32 v43, v50;
	v27 =	vld.idx.msk [tilespmem:v47+s18+$0x0], $0xffff;
	v62 =	vmov s7;
	v21 =	vadd.f32 v46, v21  }
0x96: {  	v61 =	vld.idx.msk [tilespmem:v51+s18+$0x0], $0xffff;
	v32 =	vor.u32 $0x7, v32;
	v35 =	vand.u32 $0x7, v62;
	v22 =	vadd.f32 v48, v22  }
0x97: {  	v63 =	vbroadcast v20, $0xC;
	v33 =	vmul.f32 v49, v50;
	v25 =	vld.idx.msk [tilespmem:v54+s18+$0x0], $0xffff;
	v21 =	vadd.f32 v52, v21  }
0x98: {  	v28 =	vld.idx.msk [tilespmem:v56+s18+$0x0], $0xffff;
	v35 =	vbroadcast v35, $0x0;
	v24 =	vmul.f32 v53, v59;
	v22 =	vadd.f32 v55, v22  }
0x99: {  	v41 =	vbroadcast v20, $0xD;
	v23 =	vmul.f32 v57, v59;
	v39 =	vld.idx.msk [tilespmem:v58+s18+$0x0], $0xffff;
	v21 =	vadd.f32 v33, v21  }
0x9a: {  	v43 =	vor.u32 v18, v35;
	v40 =	vmul.f32 v27, v63;
	v42 =	vld.idx.msk [tilespmem:v60+s18+$0x0], $0xffff;
	v22 =	vadd.f32 v24, v22  }
0x9b: {  	v45 =	vor.u32 v19, v35;
	v44 =	vmul.f32 v61, v63;
	v32 =	vld.idx.msk [tilespmem:v32+s18+$0x0], $0xffff;
	v21 =	vadd.f32 v23, v21  }
0x9c: {  	v31 =	vld.idx.msk [tilespmem:v31+s18+$0x0], $0xffff;
	v46 =	vbroadcast v20, $0xE;
	v25 =	vmul.f32 v25, v41;
	v22 =	vadd.f32 v40, v22  }
0x9d: {  	v47 =	vmul.f32 v28, v41;
	v21 =	vadd.f32 v44, v21  }
0x9e: {  	v20 =	vbroadcast v20, $0xF;
	v24 =	vmul.f32 v39, v46;
	v22 =	vadd.f32 v25, v22  }
0x9f: {  	v49 =	vld.idx.msk [tilespmem:v43+s16+$0x0], $0xffff;
	v48 =	vmul.f32 v42, v46;
	v21 =	vadd.f32 v47, v21  }
0xa0: {  	v51 =	vld.idx.msk [tilespmem:v45+s16+$0x0], $0xffff;
	v50 =	vmul.f32 v32, v20;
	v22 =	vadd.f32 v24, v22  }
0xa1: {  	v20 =	vmul.f32 v31, v20;
	v21 =	vadd.f32 v48, v21  }
0xa2: {  	v22 =	vadd.f32 v50, v22  }
0xa3: {  	v20 =	vadd.f32 v20, v21  }
0xa4: {  	v52 =	vadd.f32 v22, v49  }
0xa5: {  	v20 =	vadd.f32 v20, v51  }
0xa6: {  	v21 =	vmul.f32 v52, v6  }
0xa7: {  	v20 =	vmul.f32 v20, v7  }
0xa8: {  	v21 =	vadd.f32 v21, v8  }
0xa9: {  	v20 =	vadd.f32 v20, v9  }
0xaa: {  	(xrf0) =	vmax.scan.msk.f32 $0xffff, v21  }
0xab: {  	(xrf0) =	vmax.scan.msk.f32 $0xffff, v20;
	_ =	sdelay $0x4  }
0xac: {  	v53, _, _ =	vpop (xrf0)  }
0xad: {  	(v2sf) =	vpush v53, $0xF;
	v54, _, _ =	vpop (xrf0)  }
0xae: {  	(v2sf) =	vpush v54, $0xF;
	_ =	sdelay $0xd  }
0xaf: {  	s8 =	spop (v2sf)  }
0xb0: {  	s9 =	spop (v2sf)  }
0xb1: {  	s8 =	smax.f32 s8, s9  }
0xb2: {  	v55 =	vmov s8  }
0xb3: {  	v21 =	vsub.f32 v21, v55  }
0xb4: {  	v20 =	vsub.f32 v20, v55  }
0xb5: {  	v21 =	vmul.f32 $1.442695020e+00, v21  }
0xb6: {  	v20 =	vmul.f32 $1.442695020e+00, v20  }
0xb7: {  	(erf) = vpow2.f32 v21  }
0xb8: {  	(erf) = vpow2.f32 v20;
	_ =	sdelay $0x7  }
0xb9: {  	v20 =	vpop (erf)  }
0xba: {  	v21 =	vpop (erf);
	(xrf2) =	vadd.scan.msk.f32 $0xffff, v20  }
0xbb: {  	(xrf2) =	vadd.scan.msk.f32 $0xffff, v21;
	_ =	sdelay $0x8  }
0xbc: {  	v56, _, _ =	vpop (xrf2)  }
0xbd: {  	(v2sf) =	vpush v56, $0xF;
	v57, _, _ =	vpop (xrf2)  }
0xbe: {  	(v2sf) =	vpush v57, $0xF;
	_ =	sdelay $0xd  }
0xbf: {  	s8 =	spop (v2sf)  }
0xc0: {  	s9 =	spop (v2sf)  }
0xc1: {  	s8 =	sadd.f32 s9, s8;
	_ =	sdelay $0x1  }
0xc2: {  	v58 =	vmov s8  }
0xc3: {  	(erf) = vrcp.f32 v58;
	_ =	sdelay $0x8  }
0xc4: {  	v59 =	vld [tilespmem:s15+$0xFFFFE1F0];
	v22 =	vpop (erf)  }
0xc5: {  	v60 =	vld [tilespmem:s15+$0xFFFFE200];
	v20 =	vmul.f32 v22, v20  }
0xc6: {  	v61 =	vld [tilespmem:s15+$0xFFFFE3F0]  }
0xc7: {  	v63 =	vld [tilespmem:s15+$0xFFFFE400];
	v62 =	vbroadcast v20, $0x0  }
0xc8: {  	v36 =	vld [tilespmem:s15+$0xFFFFE5F0]  }
0xc9: {  	v38 =	vld [tilespmem:s15+$0xFFFFE600];
	v37 =	vbroadcast v20, $0x1;
	v23 =	vmul.f32 v62, v59  }
0xca: {  	v39 =	vld [tilespmem:s15+$0xFFFFE7F0];
	v24 =	vmul.f32 v62, v60  }
0xcb: {  	v41 =	vld [tilespmem:s15+$0xFFFFE800];
	v40 =	vbroadcast v20, $0x2;
	v25 =	vmul.f32 v37, v61;
	v23 =	vadd.f32 $0.0e+00, v23  }
0xcc: {  	v42 =	vld [tilespmem:s15+$0xFFFFE9F0];
	v27 =	vmul.f32 v37, v63;
	v24 =	vadd.f32 $0.0e+00, v24  }
0xcd: {  	v45 =	vld [tilespmem:s15+$0xFFFFEA00];
	v44 =	vbroadcast v20, $0x3;
	v43 =	vmul.f32 v40, v36;
	v23 =	vadd.f32 v23, v25  }
0xce: {  	v47 =	vld [tilespmem:s15+$0xFFFFEBF0];
	v46 =	vmul.f32 v40, v38;
	v24 =	vadd.f32 v24, v27  }
0xcf: {  	v50 =	vld [tilespmem:s15+$0xFFFFEC00];
	v49 =	vbroadcast v20, $0x4;
	v48 =	vmul.f32 v44, v39;
	v23 =	vadd.f32 v23, v43  }
0xd0: {  	v52 =	vld [tilespmem:s15+$0xFFFFEDF0];
	v51 =	vmul.f32 v44, v41;
	v24 =	vadd.f32 v24, v46  }
0xd1: {  	v55 =	vld [tilespmem:s15+$0xFFFFEE00];
	v54 =	vbroadcast v20, $0x5;
	v53 =	vmul.f32 v49, v42;
	v23 =	vadd.f32 v23, v48  }
0xd2: {  	v56 =	vld [tilespmem:s15+$0xFFFFEFF0];
	v26 =	vmul.f32 v49, v45;
	v24 =	vadd.f32 v24, v51  }
0xd3: {  	v58 =	vbroadcast v20, $0x6;
	v57 =	vmul.f32 v54, v47;
	v59 =	vld [tilespmem:s15+$0xFFFFF000];
	v23 =	vadd.f32 v23, v53  }
0xd4: {  	v60 =	vmul.f32 v54, v50;
	v61 =	vld [tilespmem:s15+$0xFFFFF1F0];
	v24 =	vadd.f32 v24, v26  }
0xd5: {  	v62 =	vmul.f32 v58, v52;
	v63 =	vbroadcast v20, $0x7;
	v36 =	vld [tilespmem:s15+$0xFFFFF200];
	v23 =	vadd.f32 v23, v57  }
0xd6: {  	v37 =	vmul.f32 v58, v55;
	v38 =	vld [tilespmem:s15+$0xFFFFF3F0];
	v24 =	vadd.f32 v24, v60  }
0xd7: {  	v40 =	vbroadcast v20, $0x8;
	v41 =	vld [tilespmem:s15+$0xFFFFF400];
	v39 =	vmul.f32 v63, v56;
	v23 =	vadd.f32 v23, v62  }
0xd8: {  	v42 =	vmul.f32 v63, v59;
	v43 =	vld [tilespmem:s15+$0xFFFFF5F0];
	v24 =	vadd.f32 v24, v37  }
0xd9: {  	v45 =	vbroadcast v20, $0x9;
	v44 =	vmul.f32 v40, v61;
	v46 =	vld [tilespmem:s15+$0xFFFFF600];
	v23 =	vadd.f32 v23, v39  }
0xda: {  	v47 =	vmul.f32 v40, v36;
	v48 =	vld [tilespmem:s15+$0xFFFFF7F0];
	v24 =	vadd.f32 v24, v42  }
0xdb: {  	v50 =	vbroadcast v20, $0xA;
	v49 =	vmul.f32 v45, v38;
	v51 =	vld [tilespmem:s15+$0xFFFFF800];
	v23 =	vadd.f32 v23, v44  }
0xdc: {  	v52 =	vmul.f32 v45, v41;
	v53 =	vld [tilespmem:s15+$0xFFFFF9F0];
	v24 =	vadd.f32 v24, v47  }
0xdd: {  	v55 =	vbroadcast v20, $0xB;
	v56 =	vld [tilespmem:s15+$0xFFFFFA00];
	v54 =	vmul.f32 v43, v50;
	v23 =	vadd.f32 v23, v49  }
0xde: {  	v58 =	vld [tilespmem:s15+$0xFFFFFBF0];
	v57 =	vmul.f32 v46, v50;
	v24 =	vadd.f32 v24, v52  }
0xdf: {  	v61 =	vld [tilespmem:s15+$0xFFFFFC00];
	v60 =	vbroadcast v20, $0xC;
	v59 =	vmul.f32 v48, v55;
	v23 =	vadd.f32 v23, v54  }
0xe0: {  	v63 =	vld [tilespmem:s15+$0xFFFFFDF0];
	v62 =	vmul.f32 v51, v55;
	v24 =	vadd.f32 v24, v57  }
0xe1: {  	v36 =	vbroadcast v20, $0xD;
	v37 =	vld [tilespmem:s15+$0xFFFFFE00];
	v35 =	vmul.f32 v53, v60;
	v23 =	vadd.f32 v23, v59  }
0xe2: {  	v38 =	vmul.f32 v56, v60;
	v39 =	vld [tilespmem:s15+$0xFFFFFFF0];
	v24 =	vadd.f32 v24, v62  }
0xe3: {  	v41 =	vbroadcast v20, $0xE;
	v40 =	vmul.f32 v58, v36;
	v42 =	vld [tilespmem:s15+$0x0];
	v23 =	vadd.f32 v23, v35  }
0xe4: {  	v21 =	vmul.f32 v22, v21;
	v45 =	vld [tilespmem:s15+$0x1F0];
	v44 =	vmul.f32 v61, v36;
	v43 =	vadd.f32 v24, v38  }
0xe5: {  	v46 =	vmul.f32 v63, v41;
	v20 =	vbroadcast v20, $0xF;
	v47 =	vld [tilespmem:s15+$0x200];
	v23 =	vadd.f32 v23, v40  }
0xe6: {  	v48 =	vmul.f32 v37, v41;
	v49 =	vld [tilespmem:s15+$0x3F0];
	v22 =	vadd.f32 v43, v44  }
0xe7: {  	v51 =	vbroadcast v21, $0x0;
	v52 =	vld [tilespmem:s15+$0x400];
	v50 =	vmul.f32 v39, v20;
	v23 =	vadd.f32 v23, v46  }
0xe8: {  	v53 =	vld [tilespmem:s15+$0x5F0];
	v20 =	vmul.f32 v42, v20;
	v22 =	vadd.f32 v22, v48  }
0xe9: {  	v55 =	vbroadcast v21, $0x1;
	v56 =	vld [tilespmem:s15+$0x600];
	v54 =	vmul.f32 v45, v51;
	v23 =	vadd.f32 v23, v50  }
0xea: {  	v58 =	vld [tilespmem:s15+$0x7F0];
	v57 =	vmul.f32 v47, v51;
	v20 =	vadd.f32 v22, v20  }
0xeb: {  	v60 =	vbroadcast v21, $0x2;
	v61 =	vld [tilespmem:s15+$0x800];
	v59 =	vmul.f32 v49, v55;
	v23 =	vadd.f32 v23, v54  }
0xec: {  	v63 =	vld [tilespmem:s15+$0x9F0];
	v62 =	vmul.f32 v52, v55;
	v20 =	vadd.f32 v20, v57  }
0xed: {  	v34 =	vld [tilespmem:s15+$0xA00];
	v33 =	vbroadcast v21, $0x3;
	v24 =	vmul.f32 v53, v60;
	v23 =	vadd.f32 v23, v59  }
0xee: {  	v36 =	vld [tilespmem:s15+$0xBF0];
	v35 =	vmul.f32 v56, v60;
	v20 =	vadd.f32 v20, v62  }
0xef: {  	v37 =	vmul.f32 v58, v33;
	v39 =	vld [tilespmem:s15+$0xC00];
	v38 =	vbroadcast v21, $0x4;
	v23 =	vadd.f32 v23, v24  }
0xf0: {  	v41 =	vld [tilespmem:s15+$0xDF0];
	v40 =	vmul.f32 v61, v33;
	v20 =	vadd.f32 v20, v35  }
0xf1: {  	v42 =	vmul.f32 v63, v38;
	v43 =	vbroadcast v21, $0x5;
	v44 =	vld [tilespmem:s15+$0xE00];
	v23 =	vadd.f32 v23, v37  }
0xf2: {  	v45 =	vmul.f32 v34, v38;
	v46 =	vld [tilespmem:s15+$0xFF0];
	v20 =	vadd.f32 v40, v20  }
0xf3: {  	v49 =	vld [tilespmem:s15+$0x1000];
	v47 =	vmul.f32 v36, v43;
	v48 =	vbroadcast v21, $0x6;
	v23 =	vadd.f32 v42, v23  }
0xf4: {  	v51 =	vld [tilespmem:s15+$0x11F0];
	v50 =	vmul.f32 v39, v43;
	v20 =	vadd.f32 v45, v20  }
0xf5: {  	v53 =	vbroadcast v21, $0x7;
	v52 =	vmul.f32 v41, v48;
	v54 =	vld [tilespmem:s15+$0x1200];
	v23 =	vadd.f32 v47, v23  }
0xf6: {  	v56 =	vld [tilespmem:s15+$0x13F0];
	v55 =	vmul.f32 v44, v48;
	v20 =	vadd.f32 v50, v20  }
0xf7: {  	v58 =	vbroadcast v21, $0x8;
	v57 =	vmul.f32 v46, v53;
	v59 =	vld [tilespmem:s15+$0x1400];
	v23 =	vadd.f32 v52, v23  }
0xf8: {  	v61 =	vld [tilespmem:s15+$0x15F0];
	v60 =	vmul.f32 v49, v53;
	v20 =	vadd.f32 v55, v20  }
0xf9: {  	v63 =	vbroadcast v21, $0x9;
	v33 =	vld [tilespmem:s15+$0x1600];
	v62 =	vmul.f32 v51, v58;
	v23 =	vadd.f32 v57, v23  }
0xfa: {  	v35 =	vld [tilespmem:s15+$0x17F0];
	v34 =	vmul.f32 v54, v58;
	v20 =	vadd.f32 v60, v20  }
0xfb: {  	v38 =	vld [tilespmem:s15+$0x1800];
	v36 =	vmul.f32 v56, v63;
	v37 =	vbroadcast v21, $0xA;
	v23 =	vadd.f32 v62, v23  }
0xfc: {  	v40 =	vld [tilespmem:s15+$0x19F0];
	v39 =	vmul.f32 v59, v63;
	v20 =	vadd.f32 v34, v20  }
0xfd: {  	v43 =	vld [tilespmem:s15+$0x1A00];
	v41 =	vmul.f32 v61, v37;
	v42 =	vbroadcast v21, $0xB;
	v23 =	vadd.f32 v36, v23  }
0xfe: {  	v44 =	vmul.f32 v33, v37;
	v45 =	vld [tilespmem:s15+$0x1BF0];
	v20 =	vadd.f32 v39, v20  }
0xff: {  	v48 =	vld [tilespmem:s15+$0x1C00];
	v46 =	vmul.f32 v35, v42;
	v47 =	vbroadcast v21, $0xC;
	v23 =	vadd.f32 v41, v23  }
0x100: {  	v49 =	vmul.f32 v38, v42;
	v50 =	vld [tilespmem:s15+$0x1DF0];
	v20 =	vadd.f32 v44, v20  }
0x101: {  	v53 =	vld [tilespmem:s15+$0x1E00];
	v51 =	vmul.f32 v40, v47;
	v52 =	vbroadcast v21, $0xD;
	v23 =	vadd.f32 v46, v23  }
0x102: {  	v54 =	vmul.f32 v43, v47;
	v55 =	vld [tilespmem:s15+$0x1FF0];
	v20 =	vadd.f32 v49, v20  }
0x103: {  	v58 =	vld [tilespmem:s15+$0x2000];
	v56 =	vmul.f32 v45, v52;
	v57 =	vbroadcast v21, $0xE;
	v23 =	vadd.f32 v51, v23  }
0x104: {  	v59 =	vmul.f32 v48, v52;
	v20 =	vadd.f32 v54, v20  }
0x105: {  	v21 =	vbroadcast v21, $0xF;
	v60 =	vmul.f32 v50, v57;
	v23 =	vadd.f32 v56, v23  }
0x106: {  	v61 =	vmul.f32 v53, v57;
	v20 =	vadd.f32 v59, v20  }
0x107: {  	p1 =	sne.s32 s7, $0x7;
	v62 =	vmul.f32 v55, v21;
	v23 =	vadd.f32 v60, v23  }
.Ltmp4:
0x108: {  	v21 =	vmul.f32 v58, v21;
	v20 =	vadd.f32 v61, v20;
	(pc) =	sbr.rel @p1 .LBB2_11-.Ltmp4, $4  }
0x109: {  	v63 =	vadd.f32 v62, v23  }
0x10a: {  	v20 =	vadd.f32 v21, v20  }
0x10b: {  	s0 =	sadd.s32 $0x20, s0;
	s13 =	sadd.s32 $0x20, s13;
	[tilespmem:s1+$0x0] =	vst v63  }
0x10c: {  	s7 =	sadd.s32 $0x1, s7;
	s15 =	sadd.s32 $0x20, s15;
	[tilespmem:s1+$0x10] =	vst v20;
	s1 =	sadd.s32 $0x20, s1  }
.Ltmp5:
0x10d: {  	(pc) =	sbr.rel @p0 .LBB2_10-.Ltmp5, $2  }
0x10e: {  	_ =	sdelay $0x2  }
0x10f: {  	s0 =	simm.s32 $0x1;
	p1 =	por $0x0, $0x0  }
0x110: {  	p0 =	sne.s32 s23, $0x7  }
0x111: {  	s0 =	sshll.u32 @!p0 s24, $0x9;
	s1 =	sshll.u32 @!p0 s26, $0xC  }
0x112: {  	s7 =	simm.s32 @!p0 $0x0;
	s0 =	sadd.s32 @!p0 s0, s11;
	s1 =	sor.u32 @!p0 $0x18000, s1  }
0x113: {  	[hbm4b:s0+s7] =	stream.linear.scatter @!p0 [tilespmem:s1], [sflag:$0x3], $0x1000, $0x38;
	[tilespmem:$0x1A000] =	vst v63  }
0x114: {  	p0 =	slt.u32 s25, $0x80  }
.Ltmp6:
0x115: {  	_ = 	snop;
	(pc) =	sbr.rel @p0 .LBB2_2-.Ltmp6, $2  }
0x116: {  	_ =	sdelay $0x2  }
0x117: {  	s0 =	smov.u32 s25  }
0x118: {  	s22 =	sadd.s32 $0x1, s22  }
0x119: {  	_ =	swait.ge [sflag:s20], $0x1000;
	p0 =	sne.s32 s22, s12  }
.Ltmp7:
0x11a: {  	[sflag:s20] =	ssyncset.done $0x0;
	(pc) =	sbr.rel @p0 .LBB2_1-.Ltmp7, $4  }
0x11b: {  	[sflag:s20] =	ssyncadd.s32 $0xFFFFF000  }
0x11c: {  	_ =	swait.ge [sflag:s20], $0x1000  }
0x11d: {  	[sflag:s20] =	ssyncset.done $0x0  }
0x11e: {  	[sflag:s20] =	ssyncadd.s32 $0xFFFFF000  }
0x11f: {  	_ =	sfence.sel $0x180000  }
0x120: {  	[bflag:$0x0] =	sbarrier.arrive $0xFFFF  }
0x121: {  	_ =	strace $0x90000047  }
0x122: {  	s0 =	stileid.u32;
	[bflag:$0x2] =	sbarrier.arrive $0xFFFF  }
0x123: {  	p0 =	sne.s32 s0, $0x0;
	s0 =	rddreg [dreg:$0x2]  }
0x124: {  	s0 =	sadd.s32 @!p0 $0x100000, s0  }
0x125: {  	[sflag:s0] =	ssyncadd.tile.s32 @!p0 $0x1;
	_ =	shalt  }
.Lfunc_end2:
_tile_overlayer_lowered:
.L_overlay_start_2:
0x126: {  	(tag) =	ssettag $0x2  }
0x127: {  	s0 =	rddreg [dreg:$0x0];
	s2 =	stileid.u32  }
0x128: {  	s1 =	rddreg [dreg:$0x1];
	p0 =	sne.s32 s2, $0x0  }
0x129: {  	s3 =	rddreg [dreg:$0x2];
	[bflag:$0x3] =	sbarrier.arrive $0xFFFF;
	s2 =	simm.s32 @!p0 $0x1C04  }
0x12a: {  	[timem:s3], [sflag:s2] =	dma.local @!p0 [hbm:s0], s1  }
0x12b: {  	s0 =	simm.s32 @!p0 $0x4  }
0x12c: {  	_ =	swait.ge @!p0 [sflag:s0], s1  }
0x12d: {  	s1 =	ssub.s32 @!p0 $0x0, s1;
	[sflag:s0] =	ssyncset.done @!p0 $0x0  }
0x12e: {  	[sflag:s0] =	ssyncadd.s32 @!p0 s1  }
0x12f: {  	[bflag:$0x3] =	sbarrier.arrive $0xFFFF  }
0x130: {  	_ =	shalt  }

</sc_bundles>
